<compile_context>
chip_gen: v7x
topology: tpu7x:2x2x1
jax: 0.10.2.dev20260603
libtpu: 0.0.44.dev20260713+nightly
codegen_flags: <defaults>
</compile_context>

<pallas_src>
import functools

import jax
import jax.numpy as jnp
from jax import lax
from jax.experimental import pallas as pl
from jax.experimental.pallas import tpu as pltpu, tpu_sc as plsc

N = 10000
E = 320000
NFEAT = 128
NHID = 128
NCLASS = 64

NC = 2
NS = 16
NW = NC * NS
EPW = E // NW
C = 125
NCHUNK = EPW // C
SEED = 80
N_PAD = 10240
RPT = N_PAD // NS
ROW_BLK = 1280


def _seg_kernel_body(with_deg, *refs):
    if with_deg:
        (h_hbm, src_hbm, dst_hbm, parts_hbm, degp_hbm,
         src_v, dst_v, rows0_v, rows1_v, ones_v, zrow_v,
         agg_sh, deg_sh, sem0, sem1) = refs
    else:
        (h_hbm, src_hbm, dst_hbm, parts_hbm,
         src_v, dst_v, rows0_v, rows1_v, ones_v, zrow_v,
         agg_sh, deg_sh, sem0, sem1) = refs

    cid = lax.axis_index("c")
    sid = lax.axis_index("s")
    wid = cid * NS + sid
    row0 = sid * RPT

    @pl.loop(0, 8)
    def _(i):
        ones_v[pl.ds(i * 16, 16)] = jnp.full((16,), 1.0, jnp.float32)
        zrow_v[pl.ds(i * 16, 16)] = jnp.zeros((16,), jnp.float32)

    @pl.when(cid == 0)
    def _():
        pltpu.sync_copy(h_hbm.at[pl.ds(row0, RPT)], agg_sh.at[pl.ds(row0, RPT)])
        if with_deg:
            @pl.loop(0, RPT // SEED)
            def _(t):
                pltpu.sync_copy(ones_v.at[pl.ds(0, SEED)],
                                deg_sh.at[pl.ds(row0 + t * SEED, SEED)])

    @pl.when(cid != 0)
    def _():
        @pl.loop(0, SEED * NFEAT // 16)
        def _(i):
            r = i // (NFEAT // 16)
            c = i % (NFEAT // 16)
            rows0_v[r, pl.ds(c * 16, 16)] = jnp.zeros((16,), jnp.float32)

        @pl.loop(0, RPT // SEED)
        def _(t):
            pltpu.sync_copy(rows0_v.at[pl.ds(0, SEED)],
                            agg_sh.at[pl.ds(row0 + t * SEED, SEED)])
            if with_deg:
                pltpu.sync_copy(zrow_v.at[pl.ds(0, SEED)],
                                deg_sh.at[pl.ds(row0 + t * SEED, SEED)])

    plsc.subcore_barrier()

    def _start(j, buf, sem):
        pltpu.async_copy(h_hbm.at[src_v.at[j]], buf, sem)

    def _wait(j, buf, sem):
        pltpu.make_async_copy(h_hbm.at[src_v.at[j]], buf, sem).wait()

    def _deg_scatter(j):
        if with_deg:
            pltpu.sync_copy(ones_v.at[pl.ds(0, C)],
                            deg_sh.at[dst_v.at[j]], add=True)

    SECT = NCHUNK // 2
    for sect in range(2):
        pltpu.sync_copy(src_hbm.at[wid, pl.ds(sect * SECT, SECT)], src_v)
        pltpu.sync_copy(dst_hbm.at[wid, pl.ds(sect * SECT, SECT)], dst_v)

        _start(0, rows0_v, sem0)

        @pl.loop(0, SECT, step=2)
        def _(j):
            _start(j + 1, rows1_v, sem1)
            _wait(j, rows0_v, sem0)
            pltpu.sync_copy(rows0_v, agg_sh.at[dst_v.at[j]], add=True)
            _deg_scatter(j)

            @pl.when(j + 2 < SECT)
            def _():
                _start(j + 2, rows0_v, sem0)

            _wait(j + 1, rows1_v, sem1)
            pltpu.sync_copy(rows1_v, agg_sh.at[dst_v.at[j + 1]], add=True)
            _deg_scatter(j + 1)

    plsc.subcore_barrier()

    pltpu.sync_copy(agg_sh.at[pl.ds(row0, RPT)],
                    parts_hbm.at[cid, pl.ds(row0, RPT)])
    if with_deg:
        @pl.when(sid == 0)
        def _():
            @pl.loop(0, N_PAD // ROW_BLK)
            def _(k):
                pltpu.sync_copy(deg_sh.at[pl.ds(k * ROW_BLK, ROW_BLK)],
                                degp_hbm.at[k, cid])


def _make_seg_kernel(with_deg):
    out_type = [jax.ShapeDtypeStruct((NC, N_PAD, NFEAT), jnp.float32)]
    if with_deg:
        out_type.append(
            jax.ShapeDtypeStruct((N_PAD // ROW_BLK, NC, ROW_BLK), jnp.float32))
    return pl.kernel(
        functools.partial(_seg_kernel_body, with_deg),
        out_type=out_type,
        mesh=plsc.VectorSubcoreMesh(core_axis_name="c", subcore_axis_name="s"),
        scratch_types=[
            pltpu.VMEM((NCHUNK // 2, C), jnp.int32),
            pltpu.VMEM((NCHUNK // 2, C), jnp.int32),
            pltpu.VMEM((C, NFEAT), jnp.float32),
            pltpu.VMEM((C, NFEAT), jnp.float32),
            pltpu.VMEM((128,), jnp.float32),
            pltpu.VMEM((128,), jnp.float32),
            pltpu.VMEM_SHARED((N_PAD, NFEAT), jnp.float32),
            pltpu.VMEM_SHARED((N_PAD,), jnp.float32),
            pltpu.SemaphoreType.DMA,
            pltpu.SemaphoreType.DMA,
        ],
    )


_seg_with_deg = _make_seg_kernel(True)
_seg_no_deg = _make_seg_kernel(False)


def _tc1_body(parts_ref, degp_ref, w_ref, b_ref, out_ref):
    p = parts_ref[0] + parts_ref[1]
    deg = degp_ref[0, 0] + degp_ref[0, 1]
    hm = p / deg[:, None]
    z = jnp.dot(hm, w_ref[...], preferred_element_type=jnp.float32) + b_ref[...]
    nrm = jnp.sqrt(jnp.sum(z * z, axis=1, keepdims=True))
    z = z / jnp.maximum(nrm, 1e-12)
    out_ref[...] = jnp.maximum(z, 0.0)


def _tc2_body(parts_ref, degp_ref, w_ref, b_ref, out_ref):
    p = parts_ref[0] + parts_ref[1]
    deg = degp_ref[0, 0] + degp_ref[0, 1]
    hm = p / deg[:, None]
    z = jnp.dot(hm, w_ref[...], preferred_element_type=jnp.float32) + b_ref[...]
    m = jnp.max(z, axis=1, keepdims=True)
    s = z - m
    lse = jnp.log(jnp.sum(jnp.exp(s), axis=1, keepdims=True))
    out_ref[...] = s - lse


def _tc_layer(body, parts, degp_r, w, b, ncols, nrows):
    nblk = N_PAD // ROW_BLK
    return pl.pallas_call(
        body,
        grid=(nblk,),
        in_specs=[
            pl.BlockSpec((NC, ROW_BLK, NFEAT), lambda i: (0, i, 0)),
            pl.BlockSpec((1, NC, ROW_BLK), lambda i: (i, 0, 0)),
            pl.BlockSpec((NFEAT, ncols), lambda i: (0, 0)),
            pl.BlockSpec((1, ncols), lambda i: (0, 0)),
        ],
        out_specs=pl.BlockSpec((ROW_BLK, ncols), lambda i: (i, 0)),
        out_shape=jax.ShapeDtypeStruct((nrows, ncols), jnp.float32),
    )(parts, degp_r, w, b)


def kernel(x, edge_index, W0, b0, W1, b1):
    src2d = edge_index[0].reshape(NW, NCHUNK, C)
    dst2d = edge_index[1].reshape(NW, NCHUNK, C)
    x_pad = jnp.pad(x, ((0, N_PAD - N), (0, 0)))

    parts1, degp = _seg_with_deg(x_pad, src2d, dst2d)
    h1 = _tc_layer(_tc1_body, parts1, degp, W0, b0, NHID, N_PAD)
    (parts2,) = _seg_no_deg(h1, src2d, dst2d)
    return _tc_layer(_tc2_body, parts2, degp, W1, b1, NCLASS, N)

# --- scband reference (transcript-rebuilt; emitter-appended) ---
"""Pipeline reference for scband-graph-sage-6811818131822 (READ-ONLY COPY).

The authoritative reference and input builder live on the scoring server;
editing this copy changes nothing except your own understanding.
"""

import jax, jax.numpy as jnp
import numpy as np

N = 10000
E = 320000
NFEAT = 128
NHID = 128
NCLASS = 64


def _xavier(key, fan_in, fan_out):
    std = float(np.sqrt(2.0 / (fan_in + fan_out)))
    return jax.random.normal(key, (fan_in, fan_out), dtype=jnp.float32) * std


def setup_inputs(seed: int = 0) -> dict:
    key = jax.random.key(seed)
    k1, k2, k3, k4, k5, k6 = jax.random.split(key, 6)
    x = jax.random.normal(k1, (N, NFEAT), dtype=jnp.float32)
    edge_index = jax.random.randint(k2, (2, E), 0, N, dtype=jnp.int32)
    W0 = _xavier(k3, NFEAT, NHID)
    b0 = _xavier(k4, 1, NHID)
    W1 = _xavier(k5, NHID, NCLASS)
    b1 = _xavier(k6, 1, NCLASS)
    return {"x": x, "edge_index": edge_index, "W0": W0, "b0": b0, "W1": W1, "b1": b1}


def _sage_layer(h, src, dst, deg, W, b):
    # mean aggregation over neighbors (including self), then linear transform
    msgs = h[src]                                   # gather (memory-bound)
    agg = jax.ops.segment_sum(msgs, dst, num_segments=N)  # scatter-add
    h_mean = (agg + h) / (deg[:, None] + 1.0)
    return h_mean @ W + b


def reference(x, edge_index, W0, b0, W1, b1):
    src = edge_index[0]
    dst = edge_index[1]
    deg = jax.ops.segment_sum(jnp.ones((E,), dtype=x.dtype), dst, num_segments=N)
    # layer 1 (dropout is identity in eval mode)
    z1 = _sage_layer(x, src, dst, deg, W0, b0)
    # F.normalize(p=2, dim=1)
    norm1 = jnp.sqrt(jnp.sum(z1 * z1, axis=1, keepdims=True))
    z1 = z1 / jnp.maximum(norm1, 1e-12)
    h1 = jax.nn.relu(z1)
    # layer 2
    z2 = _sage_layer(h1, src, dst, deg, W1, b1)
    return jax.nn.log_softmax(z2, axis=1)

if __name__ == "__main__":
    import jax
    _d = setup_inputs()
    print(jax.jit(kernel)(*tuple(_d.values())))

</pallas_src>

<mosaic_0001>
#map = affine_map<(d0, d1) -> (0, 0)>
#map1 = affine_map<(d0, d1) -> (0, 0, 0)>
module attributes {stable_mosaic.version = 14 : i64} {
  func.func @_seg_kernel_body(%arg0: i32, %arg1: i32, %arg2: memref<10240x128xf32, #tpu.memory_space<hbm>>, %arg3: memref<32x80x125xi32, #tpu.memory_space<hbm>>, %arg4: memref<32x80x125xi32, #tpu.memory_space<hbm>>, %arg5: memref<2x10240x128xf32, #tpu.memory_space<hbm>>, %arg6: memref<40x125xi32, #tpu.memory_space<vmem>>, %arg7: memref<40x125xi32, #tpu.memory_space<vmem>>, %arg8: memref<125x128xf32, #tpu.memory_space<vmem>>, %arg9: memref<125x128xf32, #tpu.memory_space<vmem>>, %arg10: memref<128xf32, #tpu.memory_space<vmem>>, %arg11: memref<128xf32, #tpu.memory_space<vmem>>, %arg12: memref<10240x128xf32, #tpu.memory_space<vmem_shared>>, %arg13: memref<10240xf32, #tpu.memory_space<vmem_shared>>, %arg14: memref<!tpu.dma_semaphore, #tpu.memory_space<semaphore_mem>>, %arg15: memref<!tpu.dma_semaphore, #tpu.memory_space<semaphore_mem>>) attributes {dimension_semantics = [#tpu.dimension_semantics<core_parallel>, #tpu.dimension_semantics<subcore_parallel>], iteration_bounds = array<i64: 2, 16>, scalar_prefetch = 0 : i64, scratch_operands = 10 : i64, tpu.core_type = #tpu.core_type<sc_vector_subcore>, window_params = [{transform_indices = #map}, {transform_indices = #map1}, {transform_indices = #map1}, {transform_indices = #map1}]} {
    %mul3A = arith.constant 16 : i32
    %mul3A_0 = arith.muli %arg0, %mul3A : i32
    %add3A = arith.addi %mul3A_0, %arg1 : i32
    %mul3A_1 = arith.constant 640 : i32
    %mul3A_2 = arith.muli %arg1, %mul3A_1 : i32
    %scan3A = arith.constant 0 : i32
    %scan3A_3 = arith.constant 8 : i32
    %scan3A_4 = arith.addi %scan3A, %scan3A_3 : i32
    %scan3A_5 = arith.constant 1 : i32
    scf.for %scan3A_37 = %scan3A to %scan3A_4 step %scan3A_5  : i32 {
      %mul3A_38 = arith.constant 1 : i32
      %mul3A_39 = arith.muli %scan3A_37, %mul3A_38 : i32
      %add3A_40 = arith.constant 0 : i32
      %add3A_41 = arith.addi %add3A_40, %mul3A_39 : i32
      %broadcast_in_dim3A = arith.constant 1.000000e+00 : f32
      %broadcast_in_dim3A_42 = vector.broadcast %broadcast_in_dim3A : f32 to vector<16xf32>
      %mul3A_43 = arith.constant 16 : i32
      %mul3A_44 = arith.muli %add3A_41, %mul3A_43 : i32
      %swap3A = arith.index_cast %mul3A_44 : i32 to index
      %swap3A_45 = tpu.vector_load %arg10[%swap3A] {strides = array<i32>} : memref<128xf32, #tpu.memory_space<vmem>>, vector<16xf32>,
      %swap3A_46 = vector.shape_cast %swap3A_45 : vector<16xf32> to vector<16xf32>
      %swap3A_47 = vector.shape_cast %broadcast_in_dim3A_42 : vector<16xf32> to vector<16xf32>
      tpu.vector_store %arg10[%swap3A], %swap3A_47 {strides = array<i32>} : memref<128xf32, #tpu.memory_space<vmem>>, vector<16xf32>,
      %broadcast_in_dim3A_48 = arith.constant 0.000000e+00 : f32
      %broadcast_in_dim3A_49 = vector.broadcast %broadcast_in_dim3A_48 : f32 to vector<16xf32>
      %mul3A_50 = arith.constant 16 : i32
      %mul3A_51 = arith.muli %add3A_41, %mul3A_50 : i32
      %swap3A_52 = arith.index_cast %mul3A_51 : i32 to index
      %swap3A_53 = tpu.vector_load %arg11[%swap3A_52] {strides = array<i32>} : memref<128xf32, #tpu.memory_space<vmem>>, vector<16xf32>,
      %swap3A_54 = vector.shape_cast %swap3A_53 : vector<16xf32> to vector<16xf32>
      %swap3A_55 = vector.shape_cast %broadcast_in_dim3A_49 : vector<16xf32> to vector<16xf32>
      tpu.vector_store %arg11[%swap3A_52], %swap3A_55 {strides = array<i32>} : memref<128xf32, #tpu.memory_space<vmem>>, vector<16xf32>,
    }
    %scan3A_6 = arith.constant 8 : i32
    %eq3A = arith.constant 0 : i32
    %eq3A_7 = arith.cmpi eq, %arg0, %eq3A : i32
    %convert_element_type3A = arith.extui %eq3A_7 : i1 to i32
    %cond3A = arith.constant 0 : i32
    %cond3A_8 = arith.cmpi ne, %convert_element_type3A, %cond3A : i32
    scf.if %cond3A_8 {
      "tpu.region"() ({
        %run_scoped3A = tpu.sem_alloc : memref<!tpu.dma_semaphore, #tpu.memory_space<semaphore_mem>>
        %dma_start3A_37 = arith.constant 0 : i32
        %dma_start3A_38 = tpu.memref_slice %arg12[%mul3A_2, %dma_start3A_37] : memref<10240x128xf32, #tpu.memory_space<vmem_shared>> -> memref<640x128xf32, #tpu.memory_space<vmem_shared>>
        %dma_start3A_39 = arith.constant 0 : i32
        %dma_start3A_40 = tpu.memref_slice %arg2[%mul3A_2, %dma_start3A_39] : memref<10240x128xf32, #tpu.memory_space<hbm>> -> memref<640x128xf32, #tpu.memory_space<hbm>>
        tpu.enqueue_dma source(%dma_start3A_40 : memref<640x128xf32, #tpu.memory_space<hbm>>) target(%dma_start3A_38 : memref<640x128xf32, #tpu.memory_space<vmem_shared>>) target_semaphore(%run_scoped3A : memref<!tpu.dma_semaphore, #tpu.memory_space<semaphore_mem>>)
        %dma_wait3A = arith.constant 0 : i32
        %dma_wait3A_41 = tpu.memref_slice %arg12[%mul3A_2, %dma_wait3A] : memref<10240x128xf32, #tpu.memory_space<vmem_shared>> -> memref<640x128xf32, #tpu.memory_space<vmem_shared>>
        %dma_wait3A_42 = arith.constant 0 : i32
        %dma_wait3A_43 = tpu.memref_slice %arg2[%mul3A_2, %dma_wait3A_42] : memref<10240x128xf32, #tpu.memory_space<hbm>> -> memref<640x128xf32, #tpu.memory_space<hbm>>
        tpu.wait_dma2 semaphore(%run_scoped3A : memref<!tpu.dma_semaphore, #tpu.memory_space<semaphore_mem>>) src(%dma_wait3A_43 : memref<640x128xf32, #tpu.memory_space<hbm>>) dst(%dma_wait3A_41 : memref<640x128xf32, #tpu.memory_space<vmem_shared>>)
        tpu.yield
      }) : () -> ()
    } else {
    }
    %ne3A = arith.constant 0 : i32
    %ne3A_9 = arith.cmpi ne, %arg0, %ne3A : i32
    %convert_element_type3A_10 = arith.extui %ne3A_9 : i1 to i32
    %cond3A_11 = arith.constant 0 : i32
    %cond3A_12 = arith.cmpi ne, %convert_element_type3A_10, %cond3A_11 : i32
    scf.if %cond3A_12 {
      %scan3A_37 = arith.constant 0 : i32
      %scan3A_38 = arith.constant 640 : i32
      %scan3A_39 = arith.addi %scan3A_37, %scan3A_38 : i32
      %scan3A_40 = arith.constant 1 : i32
      scf.for %scan3A_47 = %scan3A_37 to %scan3A_39 step %scan3A_40  : i32 {
        %mul3A_48 = arith.constant 1 : i32
        %mul3A_49 = arith.muli %scan3A_47, %mul3A_48 : i32
        %add3A_50 = arith.constant 0 : i32
        %add3A_51 = arith.addi %add3A_50, %mul3A_49 : i32
        %jit3A = arith.constant 8 : i32
        %div3A = arith.divsi %add3A_51, %jit3A : i32
        %sign3A = arith.constant 0 : i32
        %sign3A_52 = arith.cmpi sgt, %add3A_51, %sign3A : i32
        %sign3A_53 = arith.extui %sign3A_52 : i1 to i32
        %sign3A_54 = arith.constant 0 : i32
        %sign3A_55 = arith.cmpi slt, %add3A_51, %sign3A_54 : i32
        %sign3A_56 = arith.extui %sign3A_55 : i1 to i32
        %sign3A_57 = arith.subi %sign3A_53, %sign3A_56 : i32
        %sign3A_58 = arith.constant 0 : i32
        %sign3A_59 = arith.cmpi sgt, %jit3A, %sign3A_58 : i32
        %sign3A_60 = arith.extui %sign3A_59 : i1 to i32
        %sign3A_61 = arith.constant 0 : i32
        %sign3A_62 = arith.cmpi slt, %jit3A, %sign3A_61 : i32
        %sign3A_63 = arith.extui %sign3A_62 : i1 to i32
        %sign3A_64 = arith.subi %sign3A_60, %sign3A_63 : i32
        %ne3A_65 = arith.cmpi ne, %sign3A_57, %sign3A_64 : i32
        %rem3A = arith.remsi %add3A_51, %jit3A : i32
        %ne3A_66 = arith.constant 0 : i32
        %ne3A_67 = arith.cmpi ne, %rem3A, %ne3A_66 : i32
        %and3A = arith.andi %ne3A_65, %ne3A_67 : i1
        %sub3A = arith.constant 1 : i32
        %sub3A_68 = arith.subi %div3A, %sub3A : i32
        %select_n3A = arith.select %and3A, %sub3A_68, %div3A : i32
        %jit3A_69 = arith.constant 8 : i32
        %eq3A_70 = arith.constant 0 : i32
        %eq3A_71 = arith.cmpi eq, %jit3A_69, %eq3A_70 : i32
        %jit3A_72 = arith.constant 1 : i32
        %select_n3A_73 = arith.select %eq3A_71, %jit3A_72, %jit3A_69 : i32
        %rem3A_74 = arith.remsi %add3A_51, %select_n3A_73 : i32
        %ne3A_75 = arith.constant 0 : i32
        %ne3A_76 = arith.cmpi ne, %rem3A_74, %ne3A_75 : i32
        %lt3A = arith.constant 0 : i32
        %lt3A_77 = arith.cmpi slt, %rem3A_74, %lt3A : i32
        %lt3A_78 = arith.constant 0 : i32
        %lt3A_79 = arith.cmpi slt, %select_n3A_73, %lt3A_78 : i32
        %ne3A_80 = arith.xori %lt3A_77, %lt3A_79 : i1
        %and3A_81 = arith.andi %ne3A_80, %ne3A_76 : i1
        %add3A_82 = arith.addi %rem3A_74, %select_n3A_73 : i32
        %select_n3A_83 = arith.select %and3A_81, %add3A_82, %rem3A_74 : i32
        %broadcast_in_dim3A = arith.constant 0.000000e+00 : f32
        %broadcast_in_dim3A_84 = vector.broadcast %broadcast_in_dim3A : f32 to vector<16xf32>
        %mul3A_85 = arith.constant 16 : i32
        %mul3A_86 = arith.muli %select_n3A_83, %mul3A_85 : i32
        %swap3A = arith.index_cast %select_n3A : i32 to index
        %swap3A_87 = arith.index_cast %mul3A_86 : i32 to index
        %swap3A_88 = tpu.vector_load %arg8[%swap3A, %swap3A_87] {strides = array<i32>} : memref<125x128xf32, #tpu.memory_space<vmem>>, vector<1x16xf32>,
        %swap3A_89 = vector.shape_cast %swap3A_88 : vector<1x16xf32> to vector<16xf32>
        %swap3A_90 = vector.shape_cast %broadcast_in_dim3A_84 : vector<16xf32> to vector<1x16xf32>
        tpu.vector_store %arg8[%swap3A, %swap3A_87], %swap3A_90 {strides = array<i32>} : memref<125x128xf32, #tpu.memory_space<vmem>>, vector<1x16xf32>,
      }
      %scan3A_41 = arith.constant 640 : i32
      %scan3A_42 = arith.constant 0 : i32
      %scan3A_43 = arith.constant 8 : i32
      %scan3A_44 = arith.addi %scan3A_42, %scan3A_43 : i32
      %scan3A_45 = arith.constant 1 : i32
      scf.for %scan3A_47 = %scan3A_42 to %scan3A_44 step %scan3A_45  : i32 {
        %mul3A_48 = arith.constant 1 : i32
        %mul3A_49 = arith.muli %scan3A_47, %mul3A_48 : i32
        %add3A_50 = arith.constant 0 : i32
        %add3A_51 = arith.addi %add3A_50, %mul3A_49 : i32
        %mul3A_52 = arith.constant 80 : i32
        %mul3A_53 = arith.muli %add3A_51, %mul3A_52 : i32
        %add3A_54 = arith.addi %mul3A_2, %mul3A_53 : i32
        "tpu.region"() ({
          %run_scoped3A = tpu.sem_alloc : memref<!tpu.dma_semaphore, #tpu.memory_space<semaphore_mem>>
          %dma_start3A_55 = arith.constant 0 : i32
          %dma_start3A_56 = arith.constant 0 : i32
          %dma_start3A_57 = tpu.memref_slice %arg8[%dma_start3A_55, %dma_start3A_56] : memref<125x128xf32, #tpu.memory_space<vmem>> -> memref<80x128xf32, #tpu.memory_space<vmem>>
          %dma_start3A_58 = arith.constant 0 : i32
          %dma_start3A_59 = tpu.memref_slice %arg12[%add3A_54, %dma_start3A_58] : memref<10240x128xf32, #tpu.memory_space<vmem_shared>> -> memref<80x128xf32, #tpu.memory_space<vmem_shared>>
          %dma_start3A_60 = arith.constant 0 : i32
          %dma_start3A_61 = tpu.memref_slice %arg12[%add3A_54, %dma_start3A_60] : memref<10240x128xf32, #tpu.memory_space<vmem_shared>> -> memref<80x128xf32, #tpu.memory_space<vmem_shared>>
          %dma_start3A_62 = arith.constant 0 : i32
          %dma_start3A_63 = arith.constant 0 : i32
          %dma_start3A_64 = tpu.memref_slice %arg8[%dma_start3A_62, %dma_start3A_63] : memref<125x128xf32, #tpu.memory_space<vmem>> -> memref<80x128xf32, #tpu.memory_space<vmem>>
          tpu.enqueue_dma source(%dma_start3A_64 : memref<80x128xf32, #tpu.memory_space<vmem>>) target(%dma_start3A_61 : memref<80x128xf32, #tpu.memory_space<vmem_shared>>) target_semaphore(%run_scoped3A : memref<!tpu.dma_semaphore, #tpu.memory_space<semaphore_mem>>)
          %dma_wait3A = arith.constant 0 : i32
          %dma_wait3A_65 = arith.constant 0 : i32
          %dma_wait3A_66 = tpu.memref_slice %arg8[%dma_wait3A, %dma_wait3A_65] : memref<125x128xf32, #tpu.memory_space<vmem>> -> memref<80x128xf32, #tpu.memory_space<vmem>>
          %dma_wait3A_67 = arith.constant 0 : i32
          %dma_wait3A_68 = tpu.memref_slice %arg12[%add3A_54, %dma_wait3A_67] : memref<10240x128xf32, #tpu.memory_space<vmem_shared>> -> memref<80x128xf32, #tpu.memory_space<vmem_shared>>
          %dma_wait3A_69 = arith.constant 0 : i32
          %dma_wait3A_70 = tpu.memref_slice %arg12[%add3A_54, %dma_wait3A_69] : memref<10240x128xf32, #tpu.memory_space<vmem_shared>> -> memref<80x128xf32, #tpu.memory_space<vmem_shared>>
          %dma_wait3A_71 = arith.constant 0 : i32
          %dma_wait3A_72 = arith.constant 0 : i32
          %dma_wait3A_73 = tpu.memref_slice %arg8[%dma_wait3A_71, %dma_wait3A_72] : memref<125x128xf32, #tpu.memory_space<vmem>> -> memref<80x128xf32, #tpu.memory_space<vmem>>
          tpu.wait_dma2 semaphore(%run_scoped3A : memref<!tpu.dma_semaphore, #tpu.memory_space<semaphore_mem>>) src(%dma_wait3A_73 : memref<80x128xf32, #tpu.memory_space<vmem>>) dst(%dma_wait3A_70 : memref<80x128xf32, #tpu.memory_space<vmem_shared>>)
          tpu.yield
        }) : () -> ()
      }
      %scan3A_46 = arith.constant 8 : i32
    } else {
    }
    %barrier3A = arith.constant 0 : index
    tpu.barrier barrier_id(%barrier3A)
    "tpu.region"() ({
      %run_scoped3A = tpu.sem_alloc : memref<!tpu.dma_semaphore, #tpu.memory_space<semaphore_mem>>
      %dma_start3A_37 = arith.constant 0 : i32
      %dma_start3A_38 = arith.constant 0 : i32
      %dma_start3A_39 = tpu.memref_slice %arg3[%add3A, %dma_start3A_37, %dma_start3A_38] : memref<32x80x125xi32, #tpu.memory_space<hbm>> -> memref<1x40x125xi32, #tpu.memory_space<hbm>>
      %dma_start3A_40 = tpu.memref_squeeze %dma_start3A_39 : memref<1x40x125xi32, #tpu.memory_space<hbm>> -> memref<40x125xi32, #tpu.memory_space<hbm>>
      %dma_start3A_41 = arith.constant 0 : i32
      %dma_start3A_42 = arith.constant 0 : i32
      %dma_start3A_43 = tpu.memref_slice %arg3[%add3A, %dma_start3A_41, %dma_start3A_42] : memref<32x80x125xi32, #tpu.memory_space<hbm>> -> memref<1x40x125xi32, #tpu.memory_space<hbm>>
      %dma_start3A_44 = tpu.memref_squeeze %dma_start3A_43 : memref<1x40x125xi32, #tpu.memory_space<hbm>> -> memref<40x125xi32, #tpu.memory_space<hbm>>
      tpu.enqueue_dma source(%dma_start3A_44 : memref<40x125xi32, #tpu.memory_space<hbm>>) target(%arg6 : memref<40x125xi32, #tpu.memory_space<vmem>>) target_semaphore(%run_scoped3A : memref<!tpu.dma_semaphore, #tpu.memory_space<semaphore_mem>>)
      %dma_wait3A = arith.constant 0 : i32
      %dma_wait3A_45 = arith.constant 0 : i32
      %dma_wait3A_46 = tpu.memref_slice %arg3[%add3A, %dma_wait3A, %dma_wait3A_45] : memref<32x80x125xi32, #tpu.memory_space<hbm>> -> memref<1x40x125xi32, #tpu.memory_space<hbm>>
      %dma_wait3A_47 = tpu.memref_squeeze %dma_wait3A_46 : memref<1x40x125xi32, #tpu.memory_space<hbm>> -> memref<40x125xi32, #tpu.memory_space<hbm>>
      %dma_wait3A_48 = arith.constant 0 : i32
      %dma_wait3A_49 = arith.constant 0 : i32
      %dma_wait3A_50 = tpu.memref_slice %arg3[%add3A, %dma_wait3A_48, %dma_wait3A_49] : memref<32x80x125xi32, #tpu.memory_space<hbm>> -> memref<1x40x125xi32, #tpu.memory_space<hbm>>
      %dma_wait3A_51 = tpu.memref_squeeze %dma_wait3A_50 : memref<1x40x125xi32, #tpu.memory_space<hbm>> -> memref<40x125xi32, #tpu.memory_space<hbm>>
      tpu.wait_dma2 semaphore(%run_scoped3A : memref<!tpu.dma_semaphore, #tpu.memory_space<semaphore_mem>>) src(%dma_wait3A_51 : memref<40x125xi32, #tpu.memory_space<hbm>>) dst(%arg6 : memref<40x125xi32, #tpu.memory_space<vmem>>)
      tpu.yield
    }) : () -> ()
    "tpu.region"() ({
      %run_scoped3A = tpu.sem_alloc : memref<!tpu.dma_semaphore, #tpu.memory_space<semaphore_mem>>
      %dma_start3A_37 = arith.constant 0 : i32
      %dma_start3A_38 = arith.constant 0 : i32
      %dma_start3A_39 = tpu.memref_slice %arg4[%add3A, %dma_start3A_37, %dma_start3A_38] : memref<32x80x125xi32, #tpu.memory_space<hbm>> -> memref<1x40x125xi32, #tpu.memory_space<hbm>>
      %dma_start3A_40 = tpu.memref_squeeze %dma_start3A_39 : memref<1x40x125xi32, #tpu.memory_space<hbm>> -> memref<40x125xi32, #tpu.memory_space<hbm>>
      %dma_start3A_41 = arith.constant 0 : i32
      %dma_start3A_42 = arith.constant 0 : i32
      %dma_start3A_43 = tpu.memref_slice %arg4[%add3A, %dma_start3A_41, %dma_start3A_42] : memref<32x80x125xi32, #tpu.memory_space<hbm>> -> memref<1x40x125xi32, #tpu.memory_space<hbm>>
      %dma_start3A_44 = tpu.memref_squeeze %dma_start3A_43 : memref<1x40x125xi32, #tpu.memory_space<hbm>> -> memref<40x125xi32, #tpu.memory_space<hbm>>
      tpu.enqueue_dma source(%dma_start3A_44 : memref<40x125xi32, #tpu.memory_space<hbm>>) target(%arg7 : memref<40x125xi32, #tpu.memory_space<vmem>>) target_semaphore(%run_scoped3A : memref<!tpu.dma_semaphore, #tpu.memory_space<semaphore_mem>>)
      %dma_wait3A = arith.constant 0 : i32
      %dma_wait3A_45 = arith.constant 0 : i32
      %dma_wait3A_46 = tpu.memref_slice %arg4[%add3A, %dma_wait3A, %dma_wait3A_45] : memref<32x80x125xi32, #tpu.memory_space<hbm>> -> memref<1x40x125xi32, #tpu.memory_space<hbm>>
      %dma_wait3A_47 = tpu.memref_squeeze %dma_wait3A_46 : memref<1x40x125xi32, #tpu.memory_space<hbm>> -> memref<40x125xi32, #tpu.memory_space<hbm>>
      %dma_wait3A_48 = arith.constant 0 : i32
      %dma_wait3A_49 = arith.constant 0 : i32
      %dma_wait3A_50 = tpu.memref_slice %arg4[%add3A, %dma_wait3A_48, %dma_wait3A_49] : memref<32x80x125xi32, #tpu.memory_space<hbm>> -> memref<1x40x125xi32, #tpu.memory_space<hbm>>
      %dma_wait3A_51 = tpu.memref_squeeze %dma_wait3A_50 : memref<1x40x125xi32, #tpu.memory_space<hbm>> -> memref<40x125xi32, #tpu.memory_space<hbm>>
      tpu.wait_dma2 semaphore(%run_scoped3A : memref<!tpu.dma_semaphore, #tpu.memory_space<semaphore_mem>>) src(%dma_wait3A_51 : memref<40x125xi32, #tpu.memory_space<hbm>>) dst(%arg7 : memref<40x125xi32, #tpu.memory_space<vmem>>)
      tpu.yield
    }) : () -> ()
    %dma_start3A = arith.constant 0 : i32
    %dma_start3A_13 = arith.constant 0 : i32
    %dma_start3A_14 = tpu.memref_slice %arg6[%dma_start3A, %dma_start3A_13] : memref<40x125xi32, #tpu.memory_space<vmem>> -> memref<1x125xi32, #tpu.memory_space<vmem>>
    %dma_start3A_15 = tpu.memref_squeeze %dma_start3A_14 : memref<1x125xi32, #tpu.memory_space<vmem>> -> memref<125xi32, #tpu.memory_space<vmem>>
    %dma_start3A_16 = arith.constant 0 : i32
    %dma_start3A_17 = arith.constant 0 : i32
    %dma_start3A_18 = tpu.memref_slice %arg2[%dma_start3A_16, %dma_start3A_17] : memref<10240x128xf32, #tpu.memory_space<hbm>> -> memref<10240x128xf32, #tpu.memory_space<hbm>>
    tpu.enqueue_indirect_dma source(%dma_start3A_18 : memref<10240x128xf32, #tpu.memory_space<hbm>>) target(%arg8 : memref<125x128xf32, #tpu.memory_space<vmem>>) offsets(%dma_start3A_15 : memref<125xi32, #tpu.memory_space<vmem>>) semaphore(%arg14 : memref<!tpu.dma_semaphore, #tpu.memory_space<semaphore_mem>>)
    %scan3A_19 = arith.constant 0 : i32
    %scan3A_20 = arith.constant 20 : i32
    %scan3A_21 = arith.addi %scan3A_19, %scan3A_20 : i32
    %scan3A_22 = arith.constant 1 : i32
    scf.for %scan3A_37 = %scan3A_19 to %scan3A_21 step %scan3A_22  : i32 {
      %mul3A_38 = arith.constant 2 : i32
      %mul3A_39 = arith.muli %scan3A_37, %mul3A_38 : i32
      %add3A_40 = arith.constant 0 : i32
      %add3A_41 = arith.addi %add3A_40, %mul3A_39 : i32
      %add3A_42 = arith.constant 1 : i32
      %add3A_43 = arith.addi %add3A_41, %add3A_42 : i32
      %dma_start3A_44 = arith.constant 0 : i32
      %dma_start3A_45 = tpu.memref_slice %arg6[%add3A_43, %dma_start3A_44] : memref<40x125xi32, #tpu.memory_space<vmem>> -> memref<1x125xi32, #tpu.memory_space<vmem>>
      %dma_start3A_46 = tpu.memref_squeeze %dma_start3A_45 : memref<1x125xi32, #tpu.memory_space<vmem>> -> memref<125xi32, #tpu.memory_space<vmem>>
      %dma_start3A_47 = arith.constant 0 : i32
      %dma_start3A_48 = arith.constant 0 : i32
      %dma_start3A_49 = tpu.memref_slice %arg2[%dma_start3A_47, %dma_start3A_48] : memref<10240x128xf32, #tpu.memory_space<hbm>> -> memref<10240x128xf32, #tpu.memory_space<hbm>>
      tpu.enqueue_indirect_dma source(%dma_start3A_49 : memref<10240x128xf32, #tpu.memory_space<hbm>>) target(%arg9 : memref<125x128xf32, #tpu.memory_space<vmem>>) offsets(%dma_start3A_46 : memref<125xi32, #tpu.memory_space<vmem>>) semaphore(%arg15 : memref<!tpu.dma_semaphore, #tpu.memory_space<semaphore_mem>>)
      %dma_wait3A = arith.constant 0 : i32
      %dma_wait3A_50 = tpu.memref_slice %arg6[%add3A_41, %dma_wait3A] : memref<40x125xi32, #tpu.memory_space<vmem>> -> memref<1x125xi32, #tpu.memory_space<vmem>>
      %dma_wait3A_51 = tpu.memref_squeeze %dma_wait3A_50 : memref<1x125xi32, #tpu.memory_space<vmem>> -> memref<125xi32, #tpu.memory_space<vmem>>
      %dma_wait3A_52 = arith.constant 0 : i32
      %dma_wait3A_53 = arith.constant 0 : i32
      %dma_wait3A_54 = tpu.memref_slice %arg2[%dma_wait3A_52, %dma_wait3A_53] : memref<10240x128xf32, #tpu.memory_space<hbm>> -> memref<10240x128xf32, #tpu.memory_space<hbm>>
      tpu.wait_indirect_dma semaphore(%arg14 : memref<!tpu.dma_semaphore, #tpu.memory_space<semaphore_mem>>) src(%dma_wait3A_54 : memref<10240x128xf32, #tpu.memory_space<hbm>>) dst(%arg8 : memref<125x128xf32, #tpu.memory_space<vmem>>)
      "tpu.region"() ({
        %run_scoped3A = tpu.sem_alloc : memref<!tpu.dma_semaphore, #tpu.memory_space<semaphore_mem>>
        %dma_start3A_73 = arith.constant 0 : i32
        %dma_start3A_74 = tpu.memref_slice %arg7[%add3A_41, %dma_start3A_73] : memref<40x125xi32, #tpu.memory_space<vmem>> -> memref<1x125xi32, #tpu.memory_space<vmem>>
        %dma_start3A_75 = tpu.memref_squeeze %dma_start3A_74 : memref<1x125xi32, #tpu.memory_space<vmem>> -> memref<125xi32, #tpu.memory_space<vmem>>
        %dma_start3A_76 = arith.constant 0 : i32
        %dma_start3A_77 = arith.constant 0 : i32
        %dma_start3A_78 = tpu.memref_slice %arg12[%dma_start3A_76, %dma_start3A_77] : memref<10240x128xf32, #tpu.memory_space<vmem_shared>> -> memref<10240x128xf32, #tpu.memory_space<vmem_shared>>
        tpu.enqueue_indirect_dma source(%arg8 : memref<125x128xf32, #tpu.memory_space<vmem>>) target(%dma_start3A_78 : memref<10240x128xf32, #tpu.memory_space<vmem_shared>>) offsets(%dma_start3A_75 : memref<125xi32, #tpu.memory_space<vmem>>) semaphore(%run_scoped3A : memref<!tpu.dma_semaphore, #tpu.memory_space<semaphore_mem>>) {add = true}
        %dma_wait3A_79 = arith.constant 0 : i32
        %dma_wait3A_80 = tpu.memref_slice %arg7[%add3A_41, %dma_wait3A_79] : memref<40x125xi32, #tpu.memory_space<vmem>> -> memref<1x125xi32, #tpu.memory_space<vmem>>
        %dma_wait3A_81 = tpu.memref_squeeze %dma_wait3A_80 : memref<1x125xi32, #tpu.memory_space<vmem>> -> memref<125xi32, #tpu.memory_space<vmem>>
        %dma_wait3A_82 = arith.constant 0 : i32
        %dma_wait3A_83 = arith.constant 0 : i32
        %dma_wait3A_84 = tpu.memref_slice %arg12[%dma_wait3A_82, %dma_wait3A_83] : memref<10240x128xf32, #tpu.memory_space<vmem_shared>> -> memref<10240x128xf32, #tpu.memory_space<vmem_shared>>
        tpu.wait_indirect_dma semaphore(%run_scoped3A : memref<!tpu.dma_semaphore, #tpu.memory_space<semaphore_mem>>) src(%arg8 : memref<125x128xf32, #tpu.memory_space<vmem>>) dst(%dma_wait3A_84 : memref<10240x128xf32, #tpu.memory_space<vmem_shared>>)
        tpu.yield
      }) : () -> ()
      %add3A_55 = arith.constant 2 : i32
      %add3A_56 = arith.addi %add3A_41, %add3A_55 : i32
      %lt3A = arith.constant 40 : i32
      %lt3A_57 = arith.cmpi slt, %add3A_56, %lt3A : i32
      %convert_element_type3A_58 = arith.extui %lt3A_57 : i1 to i32
      %cond3A_59 = arith.constant 0 : i32
      %cond3A_60 = arith.cmpi ne, %convert_element_type3A_58, %cond3A_59 : i32
      scf.if %cond3A_60 {
        %add3A_73 = arith.constant 2 : i32
        %add3A_74 = arith.addi %add3A_41, %add3A_73 : i32
        %dma_start3A_75 = arith.constant 0 : i32
        %dma_start3A_76 = tpu.memref_slice %arg6[%add3A_74, %dma_start3A_75] : memref<40x125xi32, #tpu.memory_space<vmem>> -> memref<1x125xi32, #tpu.memory_space<vmem>>
        %dma_start3A_77 = tpu.memref_squeeze %dma_start3A_76 : memref<1x125xi32, #tpu.memory_space<vmem>> -> memref<125xi32, #tpu.memory_space<vmem>>
        %dma_start3A_78 = arith.constant 0 : i32
        %dma_start3A_79 = arith.constant 0 : i32
        %dma_start3A_80 = tpu.memref_slice %arg2[%dma_start3A_78, %dma_start3A_79] : memref<10240x128xf32, #tpu.memory_space<hbm>> -> memref<10240x128xf32, #tpu.memory_space<hbm>>
        tpu.enqueue_indirect_dma source(%dma_start3A_80 : memref<10240x128xf32, #tpu.memory_space<hbm>>) target(%arg8 : memref<125x128xf32, #tpu.memory_space<vmem>>) offsets(%dma_start3A_77 : memref<125xi32, #tpu.memory_space<vmem>>) semaphore(%arg14 : memref<!tpu.dma_semaphore, #tpu.memory_space<semaphore_mem>>)
      } else {
      }
      %add3A_61 = arith.constant 1 : i32
      %add3A_62 = arith.addi %add3A_41, %add3A_61 : i32
      %dma_wait3A_63 = arith.constant 0 : i32
      %dma_wait3A_64 = tpu.memref_slice %arg6[%add3A_62, %dma_wait3A_63] : memref<40x125xi32, #tpu.memory_space<vmem>> -> memref<1x125xi32, #tpu.memory_space<vmem>>
      %dma_wait3A_65 = tpu.memref_squeeze %dma_wait3A_64 : memref<1x125xi32, #tpu.memory_space<vmem>> -> memref<125xi32, #tpu.memory_space<vmem>>
      %dma_wait3A_66 = arith.constant 0 : i32
      %dma_wait3A_67 = arith.constant 0 : i32
      %dma_wait3A_68 = tpu.memref_slice %arg2[%dma_wait3A_66, %dma_wait3A_67] : memref<10240x128xf32, #tpu.memory_space<hbm>> -> memref<10240x128xf32, #tpu.memory_space<hbm>>
      tpu.wait_indirect_dma semaphore(%arg15 : memref<!tpu.dma_semaphore, #tpu.memory_space<semaphore_mem>>) src(%dma_wait3A_68 : memref<10240x128xf32, #tpu.memory_space<hbm>>) dst(%arg9 : memref<125x128xf32, #tpu.memory_space<vmem>>)
      %add3A_69 = arith.constant 1 : i32
      %add3A_70 = arith.addi %add3A_41, %add3A_69 : i32
      "tpu.region"() ({
        %run_scoped3A = tpu.sem_alloc : memref<!tpu.dma_semaphore, #tpu.memory_space<semaphore_mem>>
        %dma_start3A_73 = arith.constant 0 : i32
        %dma_start3A_74 = tpu.memref_slice %arg7[%add3A_70, %dma_start3A_73] : memref<40x125xi32, #tpu.memory_space<vmem>> -> memref<1x125xi32, #tpu.memory_space<vmem>>
        %dma_start3A_75 = tpu.memref_squeeze %dma_start3A_74 : memref<1x125xi32, #tpu.memory_space<vmem>> -> memref<125xi32, #tpu.memory_space<vmem>>
        %dma_start3A_76 = arith.constant 0 : i32
        %dma_start3A_77 = arith.constant 0 : i32
        %dma_start3A_78 = tpu.memref_slice %arg12[%dma_start3A_76, %dma_start3A_77] : memref<10240x128xf32, #tpu.memory_space<vmem_shared>> -> memref<10240x128xf32, #tpu.memory_space<vmem_shared>>
        tpu.enqueue_indirect_dma source(%arg9 : memref<125x128xf32, #tpu.memory_space<vmem>>) target(%dma_start3A_78 : memref<10240x128xf32, #tpu.memory_space<vmem_shared>>) offsets(%dma_start3A_75 : memref<125xi32, #tpu.memory_space<vmem>>) semaphore(%run_scoped3A : memref<!tpu.dma_semaphore, #tpu.memory_space<semaphore_mem>>) {add = true}
        %dma_wait3A_79 = arith.constant 0 : i32
        %dma_wait3A_80 = tpu.memref_slice %arg7[%add3A_70, %dma_wait3A_79] : memref<40x125xi32, #tpu.memory_space<vmem>> -> memref<1x125xi32, #tpu.memory_space<vmem>>
        %dma_wait3A_81 = tpu.memref_squeeze %dma_wait3A_80 : memref<1x125xi32, #tpu.memory_space<vmem>> -> memref<125xi32, #tpu.memory_space<vmem>>
        %dma_wait3A_82 = arith.constant 0 : i32
        %dma_wait3A_83 = arith.constant 0 : i32
        %dma_wait3A_84 = tpu.memref_slice %arg12[%dma_wait3A_82, %dma_wait3A_83] : memref<10240x128xf32, #tpu.memory_space<vmem_shared>> -> memref<10240x128xf32, #tpu.memory_space<vmem_shared>>
        tpu.wait_indirect_dma semaphore(%run_scoped3A : memref<!tpu.dma_semaphore, #tpu.memory_space<semaphore_mem>>) src(%arg9 : memref<125x128xf32, #tpu.memory_space<vmem>>) dst(%dma_wait3A_84 : memref<10240x128xf32, #tpu.memory_space<vmem_shared>>)
        tpu.yield
      }) : () -> ()
      %add3A_71 = arith.constant 1 : i32
      %add3A_72 = arith.addi %add3A_41, %add3A_71 : i32
    }
    %scan3A_23 = arith.constant 20 : i32
    "tpu.region"() ({
      %run_scoped3A = tpu.sem_alloc : memref<!tpu.dma_semaphore, #tpu.memory_space<semaphore_mem>>
      %dma_start3A_37 = arith.constant 40 : i32
      %dma_start3A_38 = arith.constant 0 : i32
      %dma_start3A_39 = tpu.memref_slice %arg3[%add3A, %dma_start3A_37, %dma_start3A_38] : memref<32x80x125xi32, #tpu.memory_space<hbm>> -> memref<1x40x125xi32, #tpu.memory_space<hbm>>
      %dma_start3A_40 = tpu.memref_squeeze %dma_start3A_39 : memref<1x40x125xi32, #tpu.memory_space<hbm>> -> memref<40x125xi32, #tpu.memory_space<hbm>>
      %dma_start3A_41 = arith.constant 40 : i32
      %dma_start3A_42 = arith.constant 0 : i32
      %dma_start3A_43 = tpu.memref_slice %arg3[%add3A, %dma_start3A_41, %dma_start3A_42] : memref<32x80x125xi32, #tpu.memory_space<hbm>> -> memref<1x40x125xi32, #tpu.memory_space<hbm>>
      %dma_start3A_44 = tpu.memref_squeeze %dma_start3A_43 : memref<1x40x125xi32, #tpu.memory_space<hbm>> -> memref<40x125xi32, #tpu.memory_space<hbm>>
      tpu.enqueue_dma source(%dma_start3A_44 : memref<40x125xi32, #tpu.memory_space<hbm>>) target(%arg6 : memref<40x125xi32, #tpu.memory_space<vmem>>) target_semaphore(%run_scoped3A : memref<!tpu.dma_semaphore, #tpu.memory_space<semaphore_mem>>)
      %dma_wait3A = arith.constant 40 : i32
      %dma_wait3A_45 = arith.constant 0 : i32
      %dma_wait3A_46 = tpu.memref_slice %arg3[%add3A, %dma_wait3A, %dma_wait3A_45] : memref<32x80x125xi32, #tpu.memory_space<hbm>> -> memref<1x40x125xi32, #tpu.memory_space<hbm>>
      %dma_wait3A_47 = tpu.memref_squeeze %dma_wait3A_46 : memref<1x40x125xi32, #tpu.memory_space<hbm>> -> memref<40x125xi32, #tpu.memory_space<hbm>>
      %dma_wait3A_48 = arith.constant 40 : i32
      %dma_wait3A_49 = arith.constant 0 : i32
      %dma_wait3A_50 = tpu.memref_slice %arg3[%add3A, %dma_wait3A_48, %dma_wait3A_49] : memref<32x80x125xi32, #tpu.memory_space<hbm>> -> memref<1x40x125xi32, #tpu.memory_space<hbm>>
      %dma_wait3A_51 = tpu.memref_squeeze %dma_wait3A_50 : memref<1x40x125xi32, #tpu.memory_space<hbm>> -> memref<40x125xi32, #tpu.memory_space<hbm>>
      tpu.wait_dma2 semaphore(%run_scoped3A : memref<!tpu.dma_semaphore, #tpu.memory_space<semaphore_mem>>) src(%dma_wait3A_51 : memref<40x125xi32, #tpu.memory_space<hbm>>) dst(%arg6 : memref<40x125xi32, #tpu.memory_space<vmem>>)
      tpu.yield
    }) : () -> ()
    "tpu.region"() ({
      %run_scoped3A = tpu.sem_alloc : memref<!tpu.dma_semaphore, #tpu.memory_space<semaphore_mem>>
      %dma_start3A_37 = arith.constant 40 : i32
      %dma_start3A_38 = arith.constant 0 : i32
      %dma_start3A_39 = tpu.memref_slice %arg4[%add3A, %dma_start3A_37, %dma_start3A_38] : memref<32x80x125xi32, #tpu.memory_space<hbm>> -> memref<1x40x125xi32, #tpu.memory_space<hbm>>
      %dma_start3A_40 = tpu.memref_squeeze %dma_start3A_39 : memref<1x40x125xi32, #tpu.memory_space<hbm>> -> memref<40x125xi32, #tpu.memory_space<hbm>>
      %dma_start3A_41 = arith.constant 40 : i32
      %dma_start3A_42 = arith.constant 0 : i32
      %dma_start3A_43 = tpu.memref_slice %arg4[%add3A, %dma_start3A_41, %dma_start3A_42] : memref<32x80x125xi32, #tpu.memory_space<hbm>> -> memref<1x40x125xi32, #tpu.memory_space<hbm>>
      %dma_start3A_44 = tpu.memref_squeeze %dma_start3A_43 : memref<1x40x125xi32, #tpu.memory_space<hbm>> -> memref<40x125xi32, #tpu.memory_space<hbm>>
      tpu.enqueue_dma source(%dma_start3A_44 : memref<40x125xi32, #tpu.memory_space<hbm>>) target(%arg7 : memref<40x125xi32, #tpu.memory_space<vmem>>) target_semaphore(%run_scoped3A : memref<!tpu.dma_semaphore, #tpu.memory_space<semaphore_mem>>)
      %dma_wait3A = arith.constant 40 : i32
      %dma_wait3A_45 = arith.constant 0 : i32
      %dma_wait3A_46 = tpu.memref_slice %arg4[%add3A, %dma_wait3A, %dma_wait3A_45] : memref<32x80x125xi32, #tpu.memory_space<hbm>> -> memref<1x40x125xi32, #tpu.memory_space<hbm>>
      %dma_wait3A_47 = tpu.memref_squeeze %dma_wait3A_46 : memref<1x40x125xi32, #tpu.memory_space<hbm>> -> memref<40x125xi32, #tpu.memory_space<hbm>>
      %dma_wait3A_48 = arith.constant 40 : i32
      %dma_wait3A_49 = arith.constant 0 : i32
      %dma_wait3A_50 = tpu.memref_slice %arg4[%add3A, %dma_wait3A_48, %dma_wait3A_49] : memref<32x80x125xi32, #tpu.memory_space<hbm>> -> memref<1x40x125xi32, #tpu.memory_space<hbm>>
      %dma_wait3A_51 = tpu.memref_squeeze %dma_wait3A_50 : memref<1x40x125xi32, #tpu.memory_space<hbm>> -> memref<40x125xi32, #tpu.memory_space<hbm>>
      tpu.wait_dma2 semaphore(%run_scoped3A : memref<!tpu.dma_semaphore, #tpu.memory_space<semaphore_mem>>) src(%dma_wait3A_51 : memref<40x125xi32, #tpu.memory_space<hbm>>) dst(%arg7 : memref<40x125xi32, #tpu.memory_space<vmem>>)
      tpu.yield
    }) : () -> ()
    %dma_start3A_24 = arith.constant 0 : i32
    %dma_start3A_25 = arith.constant 0 : i32
    %dma_start3A_26 = tpu.memref_slice %arg6[%dma_start3A_24, %dma_start3A_25] : memref<40x125xi32, #tpu.memory_space<vmem>> -> memref<1x125xi32, #tpu.memory_space<vmem>>
    %dma_start3A_27 = tpu.memref_squeeze %dma_start3A_26 : memref<1x125xi32, #tpu.memory_space<vmem>> -> memref<125xi32, #tpu.memory_space<vmem>>
    %dma_start3A_28 = arith.constant 0 : i32
    %dma_start3A_29 = arith.constant 0 : i32
    %dma_start3A_30 = tpu.memref_slice %arg2[%dma_start3A_28, %dma_start3A_29] : memref<10240x128xf32, #tpu.memory_space<hbm>> -> memref<10240x128xf32, #tpu.memory_space<hbm>>
    tpu.enqueue_indirect_dma source(%dma_start3A_30 : memref<10240x128xf32, #tpu.memory_space<hbm>>) target(%arg8 : memref<125x128xf32, #tpu.memory_space<vmem>>) offsets(%dma_start3A_27 : memref<125xi32, #tpu.memory_space<vmem>>) semaphore(%arg14 : memref<!tpu.dma_semaphore, #tpu.memory_space<semaphore_mem>>)
    %scan3A_31 = arith.constant 0 : i32
    %scan3A_32 = arith.constant 20 : i32
    %scan3A_33 = arith.addi %scan3A_31, %scan3A_32 : i32
    %scan3A_34 = arith.constant 1 : i32
    scf.for %scan3A_37 = %scan3A_31 to %scan3A_33 step %scan3A_34  : i32 {
      %mul3A_38 = arith.constant 2 : i32
      %mul3A_39 = arith.muli %scan3A_37, %mul3A_38 : i32
      %add3A_40 = arith.constant 0 : i32
      %add3A_41 = arith.addi %add3A_40, %mul3A_39 : i32
      %add3A_42 = arith.constant 1 : i32
      %add3A_43 = arith.addi %add3A_41, %add3A_42 : i32
      %dma_start3A_44 = arith.constant 0 : i32
      %dma_start3A_45 = tpu.memref_slice %arg6[%add3A_43, %dma_start3A_44] : memref<40x125xi32, #tpu.memory_space<vmem>> -> memref<1x125xi32, #tpu.memory_space<vmem>>
      %dma_start3A_46 = tpu.memref_squeeze %dma_start3A_45 : memref<1x125xi32, #tpu.memory_space<vmem>> -> memref<125xi32, #tpu.memory_space<vmem>>
      %dma_start3A_47 = arith.constant 0 : i32
      %dma_start3A_48 = arith.constant 0 : i32
      %dma_start3A_49 = tpu.memref_slice %arg2[%dma_start3A_47, %dma_start3A_48] : memref<10240x128xf32, #tpu.memory_space<hbm>> -> memref<10240x128xf32, #tpu.memory_space<hbm>>
      tpu.enqueue_indirect_dma source(%dma_start3A_49 : memref<10240x128xf32, #tpu.memory_space<hbm>>) target(%arg9 : memref<125x128xf32, #tpu.memory_space<vmem>>) offsets(%dma_start3A_46 : memref<125xi32, #tpu.memory_space<vmem>>) semaphore(%arg15 : memref<!tpu.dma_semaphore, #tpu.memory_space<semaphore_mem>>)
      %dma_wait3A = arith.constant 0 : i32
      %dma_wait3A_50 = tpu.memref_slice %arg6[%add3A_41, %dma_wait3A] : memref<40x125xi32, #tpu.memory_space<vmem>> -> memref<1x125xi32, #tpu.memory_space<vmem>>
      %dma_wait3A_51 = tpu.memref_squeeze %dma_wait3A_50 : memref<1x125xi32, #tpu.memory_space<vmem>> -> memref<125xi32, #tpu.memory_space<vmem>>
      %dma_wait3A_52 = arith.constant 0 : i32
      %dma_wait3A_53 = arith.constant 0 : i32
      %dma_wait3A_54 = tpu.memref_slice %arg2[%dma_wait3A_52, %dma_wait3A_53] : memref<10240x128xf32, #tpu.memory_space<hbm>> -> memref<10240x128xf32, #tpu.memory_space<hbm>>
      tpu.wait_indirect_dma semaphore(%arg14 : memref<!tpu.dma_semaphore, #tpu.memory_space<semaphore_mem>>) src(%dma_wait3A_54 : memref<10240x128xf32, #tpu.memory_space<hbm>>) dst(%arg8 : memref<125x128xf32, #tpu.memory_space<vmem>>)
      "tpu.region"() ({
        %run_scoped3A = tpu.sem_alloc : memref<!tpu.dma_semaphore, #tpu.memory_space<semaphore_mem>>
        %dma_start3A_73 = arith.constant 0 : i32
        %dma_start3A_74 = tpu.memref_slice %arg7[%add3A_41, %dma_start3A_73] : memref<40x125xi32, #tpu.memory_space<vmem>> -> memref<1x125xi32, #tpu.memory_space<vmem>>
        %dma_start3A_75 = tpu.memref_squeeze %dma_start3A_74 : memref<1x125xi32, #tpu.memory_space<vmem>> -> memref<125xi32, #tpu.memory_space<vmem>>
        %dma_start3A_76 = arith.constant 0 : i32
        %dma_start3A_77 = arith.constant 0 : i32
        %dma_start3A_78 = tpu.memref_slice %arg12[%dma_start3A_76, %dma_start3A_77] : memref<10240x128xf32, #tpu.memory_space<vmem_shared>> -> memref<10240x128xf32, #tpu.memory_space<vmem_shared>>
        tpu.enqueue_indirect_dma source(%arg8 : memref<125x128xf32, #tpu.memory_space<vmem>>) target(%dma_start3A_78 : memref<10240x128xf32, #tpu.memory_space<vmem_shared>>) offsets(%dma_start3A_75 : memref<125xi32, #tpu.memory_space<vmem>>) semaphore(%run_scoped3A : memref<!tpu.dma_semaphore, #tpu.memory_space<semaphore_mem>>) {add = true}
        %dma_wait3A_79 = arith.constant 0 : i32
        %dma_wait3A_80 = tpu.memref_slice %arg7[%add3A_41, %dma_wait3A_79] : memref<40x125xi32, #tpu.memory_space<vmem>> -> memref<1x125xi32, #tpu.memory_space<vmem>>
        %dma_wait3A_81 = tpu.memref_squeeze %dma_wait3A_80 : memref<1x125xi32, #tpu.memory_space<vmem>> -> memref<125xi32, #tpu.memory_space<vmem>>
        %dma_wait3A_82 = arith.constant 0 : i32
        %dma_wait3A_83 = arith.constant 0 : i32
        %dma_wait3A_84 = tpu.memref_slice %arg12[%dma_wait3A_82, %dma_wait3A_83] : memref<10240x128xf32, #tpu.memory_space<vmem_shared>> -> memref<10240x128xf32, #tpu.memory_space<vmem_shared>>
        tpu.wait_indirect_dma semaphore(%run_scoped3A : memref<!tpu.dma_semaphore, #tpu.memory_space<semaphore_mem>>) src(%arg8 : memref<125x128xf32, #tpu.memory_space<vmem>>) dst(%dma_wait3A_84 : memref<10240x128xf32, #tpu.memory_space<vmem_shared>>)
        tpu.yield
      }) : () -> ()
      %add3A_55 = arith.constant 2 : i32
      %add3A_56 = arith.addi %add3A_41, %add3A_55 : i32
      %lt3A = arith.constant 40 : i32
      %lt3A_57 = arith.cmpi slt, %add3A_56, %lt3A : i32
      %convert_element_type3A_58 = arith.extui %lt3A_57 : i1 to i32
      %cond3A_59 = arith.constant 0 : i32
      %cond3A_60 = arith.cmpi ne, %convert_element_type3A_58, %cond3A_59 : i32
      scf.if %cond3A_60 {
        %add3A_73 = arith.constant 2 : i32
        %add3A_74 = arith.addi %add3A_41, %add3A_73 : i32
        %dma_start3A_75 = arith.constant 0 : i32
        %dma_start3A_76 = tpu.memref_slice %arg6[%add3A_74, %dma_start3A_75] : memref<40x125xi32, #tpu.memory_space<vmem>> -> memref<1x125xi32, #tpu.memory_space<vmem>>
        %dma_start3A_77 = tpu.memref_squeeze %dma_start3A_76 : memref<1x125xi32, #tpu.memory_space<vmem>> -> memref<125xi32, #tpu.memory_space<vmem>>
        %dma_start3A_78 = arith.constant 0 : i32
        %dma_start3A_79 = arith.constant 0 : i32
        %dma_start3A_80 = tpu.memref_slice %arg2[%dma_start3A_78, %dma_start3A_79] : memref<10240x128xf32, #tpu.memory_space<hbm>> -> memref<10240x128xf32, #tpu.memory_space<hbm>>
        tpu.enqueue_indirect_dma source(%dma_start3A_80 : memref<10240x128xf32, #tpu.memory_space<hbm>>) target(%arg8 : memref<125x128xf32, #tpu.memory_space<vmem>>) offsets(%dma_start3A_77 : memref<125xi32, #tpu.memory_space<vmem>>) semaphore(%arg14 : memref<!tpu.dma_semaphore, #tpu.memory_space<semaphore_mem>>)
      } else {
      }
      %add3A_61 = arith.constant 1 : i32
      %add3A_62 = arith.addi %add3A_41, %add3A_61 : i32
      %dma_wait3A_63 = arith.constant 0 : i32
      %dma_wait3A_64 = tpu.memref_slice %arg6[%add3A_62, %dma_wait3A_63] : memref<40x125xi32, #tpu.memory_space<vmem>> -> memref<1x125xi32, #tpu.memory_space<vmem>>
      %dma_wait3A_65 = tpu.memref_squeeze %dma_wait3A_64 : memref<1x125xi32, #tpu.memory_space<vmem>> -> memref<125xi32, #tpu.memory_space<vmem>>
      %dma_wait3A_66 = arith.constant 0 : i32
      %dma_wait3A_67 = arith.constant 0 : i32
      %dma_wait3A_68 = tpu.memref_slice %arg2[%dma_wait3A_66, %dma_wait3A_67] : memref<10240x128xf32, #tpu.memory_space<hbm>> -> memref<10240x128xf32, #tpu.memory_space<hbm>>
      tpu.wait_indirect_dma semaphore(%arg15 : memref<!tpu.dma_semaphore, #tpu.memory_space<semaphore_mem>>) src(%dma_wait3A_68 : memref<10240x128xf32, #tpu.memory_space<hbm>>) dst(%arg9 : memref<125x128xf32, #tpu.memory_space<vmem>>)
      %add3A_69 = arith.constant 1 : i32
      %add3A_70 = arith.addi %add3A_41, %add3A_69 : i32
      "tpu.region"() ({
        %run_scoped3A = tpu.sem_alloc : memref<!tpu.dma_semaphore, #tpu.memory_space<semaphore_mem>>
        %dma_start3A_73 = arith.constant 0 : i32
        %dma_start3A_74 = tpu.memref_slice %arg7[%add3A_70, %dma_start3A_73] : memref<40x125xi32, #tpu.memory_space<vmem>> -> memref<1x125xi32, #tpu.memory_space<vmem>>
        %dma_start3A_75 = tpu.memref_squeeze %dma_start3A_74 : memref<1x125xi32, #tpu.memory_space<vmem>> -> memref<125xi32, #tpu.memory_space<vmem>>
        %dma_start3A_76 = arith.constant 0 : i32
        %dma_start3A_77 = arith.constant 0 : i32
        %dma_start3A_78 = tpu.memref_slice %arg12[%dma_start3A_76, %dma_start3A_77] : memref<10240x128xf32, #tpu.memory_space<vmem_shared>> -> memref<10240x128xf32, #tpu.memory_space<vmem_shared>>
        tpu.enqueue_indirect_dma source(%arg9 : memref<125x128xf32, #tpu.memory_space<vmem>>) target(%dma_start3A_78 : memref<10240x128xf32, #tpu.memory_space<vmem_shared>>) offsets(%dma_start3A_75 : memref<125xi32, #tpu.memory_space<vmem>>) semaphore(%run_scoped3A : memref<!tpu.dma_semaphore, #tpu.memory_space<semaphore_mem>>) {add = true}
        %dma_wait3A_79 = arith.constant 0 : i32
        %dma_wait3A_80 = tpu.memref_slice %arg7[%add3A_70, %dma_wait3A_79] : memref<40x125xi32, #tpu.memory_space<vmem>> -> memref<1x125xi32, #tpu.memory_space<vmem>>
        %dma_wait3A_81 = tpu.memref_squeeze %dma_wait3A_80 : memref<1x125xi32, #tpu.memory_space<vmem>> -> memref<125xi32, #tpu.memory_space<vmem>>
        %dma_wait3A_82 = arith.constant 0 : i32
        %dma_wait3A_83 = arith.constant 0 : i32
        %dma_wait3A_84 = tpu.memref_slice %arg12[%dma_wait3A_82, %dma_wait3A_83] : memref<10240x128xf32, #tpu.memory_space<vmem_shared>> -> memref<10240x128xf32, #tpu.memory_space<vmem_shared>>
        tpu.wait_indirect_dma semaphore(%run_scoped3A : memref<!tpu.dma_semaphore, #tpu.memory_space<semaphore_mem>>) src(%arg9 : memref<125x128xf32, #tpu.memory_space<vmem>>) dst(%dma_wait3A_84 : memref<10240x128xf32, #tpu.memory_space<vmem_shared>>)
        tpu.yield
      }) : () -> ()
      %add3A_71 = arith.constant 1 : i32
      %add3A_72 = arith.addi %add3A_41, %add3A_71 : i32
    }
    %scan3A_35 = arith.constant 20 : i32
    %barrier3A_36 = arith.constant 0 : index
    tpu.barrier barrier_id(%barrier3A_36)
    "tpu.region"() ({
      %run_scoped3A = tpu.sem_alloc : memref<!tpu.dma_semaphore, #tpu.memory_space<semaphore_mem>>
      %dma_start3A_37 = arith.constant 0 : i32
      %dma_start3A_38 = tpu.memref_slice %arg5[%arg0, %mul3A_2, %dma_start3A_37] : memref<2x10240x128xf32, #tpu.memory_space<hbm>> -> memref<1x640x128xf32, #tpu.memory_space<hbm>>
      %dma_start3A_39 = tpu.memref_squeeze %dma_start3A_38 : memref<1x640x128xf32, #tpu.memory_space<hbm>> -> memref<640x128xf32, #tpu.memory_space<hbm>>
      %dma_start3A_40 = arith.constant 0 : i32
      %dma_start3A_41 = tpu.memref_slice %arg12[%mul3A_2, %dma_start3A_40] : memref<10240x128xf32, #tpu.memory_space<vmem_shared>> -> memref<640x128xf32, #tpu.memory_space<vmem_shared>>
      tpu.enqueue_dma source(%dma_start3A_41 : memref<640x128xf32, #tpu.memory_space<vmem_shared>>) target(%dma_start3A_39 : memref<640x128xf32, #tpu.memory_space<hbm>>) target_semaphore(%run_scoped3A : memref<!tpu.dma_semaphore, #tpu.memory_space<semaphore_mem>>)
      %dma_wait3A = arith.constant 0 : i32
      %dma_wait3A_42 = tpu.memref_slice %arg5[%arg0, %mul3A_2, %dma_wait3A] : memref<2x10240x128xf32, #tpu.memory_space<hbm>> -> memref<1x640x128xf32, #tpu.memory_space<hbm>>
      %dma_wait3A_43 = tpu.memref_squeeze %dma_wait3A_42 : memref<1x640x128xf32, #tpu.memory_space<hbm>> -> memref<640x128xf32, #tpu.memory_space<hbm>>
      %dma_wait3A_44 = arith.constant 0 : i32
      %dma_wait3A_45 = tpu.memref_slice %arg12[%mul3A_2, %dma_wait3A_44] : memref<10240x128xf32, #tpu.memory_space<vmem_shared>> -> memref<640x128xf32, #tpu.memory_space<vmem_shared>>
      tpu.wait_dma2 semaphore(%run_scoped3A : memref<!tpu.dma_semaphore, #tpu.memory_space<semaphore_mem>>) src(%dma_wait3A_45 : memref<640x128xf32, #tpu.memory_space<vmem_shared>>) dst(%dma_wait3A_43 : memref<640x128xf32, #tpu.memory_space<hbm>>)
      tpu.yield
    }) : () -> ()
    return
  }
}

#map = affine_map<(d0, d1) -> (0, 0)>
#map1 = affine_map<(d0, d1) -> (0, 0, 0)>
module attributes {stable_mosaic.version = 14 : i64} {
  func.func @_seg_kernel_body(%arg0: i32, %arg1: i32, %arg2: memref<10240x128xf32, #tpu.memory_space<hbm>>, %arg3: memref<32x80x125xi32, #tpu.memory_space<hbm>>, %arg4: memref<32x80x125xi32, #tpu.memory_space<hbm>>, %arg5: memref<2x10240x128xf32, #tpu.memory_space<hbm>>, %arg6: memref<8x2x1280xf32, #tpu.memory_space<hbm>>, %arg7: memref<40x125xi32, #tpu.memory_space<vmem>>, %arg8: memref<40x125xi32, #tpu.memory_space<vmem>>, %arg9: memref<125x128xf32, #tpu.memory_space<vmem>>, %arg10: memref<125x128xf32, #tpu.memory_space<vmem>>, %arg11: memref<128xf32, #tpu.memory_space<vmem>>, %arg12: memref<128xf32, #tpu.memory_space<vmem>>, %arg13: memref<10240x128xf32, #tpu.memory_space<vmem_shared>>, %arg14: memref<10240xf32, #tpu.memory_space<vmem_shared>>, %arg15: memref<!tpu.dma_semaphore, #tpu.memory_space<semaphore_mem>>, %arg16: memref<!tpu.dma_semaphore, #tpu.memory_space<semaphore_mem>>) attributes {dimension_semantics = [#tpu.dimension_semantics<core_parallel>, #tpu.dimension_semantics<subcore_parallel>], iteration_bounds = array<i64: 2, 16>, scalar_prefetch = 0 : i64, scratch_operands = 10 : i64, tpu.core_type = #tpu.core_type<sc_vector_subcore>, window_params = [{transform_indices = #map}, {transform_indices = #map1}, {transform_indices = #map1}, {transform_indices = #map1}, {transform_indices = #map1}]} {
    %mul3A = arith.constant 16 : i32
    %mul3A_0 = arith.muli %arg0, %mul3A : i32
    %add3A = arith.addi %mul3A_0, %arg1 : i32
    %mul3A_1 = arith.constant 640 : i32
    %mul3A_2 = arith.muli %arg1, %mul3A_1 : i32
    %scan3A = arith.constant 0 : i32
    %scan3A_3 = arith.constant 8 : i32
    %scan3A_4 = arith.addi %scan3A, %scan3A_3 : i32
    %scan3A_5 = arith.constant 1 : i32
    scf.for %scan3A_42 = %scan3A to %scan3A_4 step %scan3A_5  : i32 {
      %mul3A_43 = arith.constant 1 : i32
      %mul3A_44 = arith.muli %scan3A_42, %mul3A_43 : i32
      %add3A_45 = arith.constant 0 : i32
      %add3A_46 = arith.addi %add3A_45, %mul3A_44 : i32
      %broadcast_in_dim3A = arith.constant 1.000000e+00 : f32
      %broadcast_in_dim3A_47 = vector.broadcast %broadcast_in_dim3A : f32 to vector<16xf32>
      %mul3A_48 = arith.constant 16 : i32
      %mul3A_49 = arith.muli %add3A_46, %mul3A_48 : i32
      %swap3A = arith.index_cast %mul3A_49 : i32 to index
      %swap3A_50 = tpu.vector_load %arg11[%swap3A] {strides = array<i32>} : memref<128xf32, #tpu.memory_space<vmem>>, vector<16xf32>,
      %swap3A_51 = vector.shape_cast %swap3A_50 : vector<16xf32> to vector<16xf32>
      %swap3A_52 = vector.shape_cast %broadcast_in_dim3A_47 : vector<16xf32> to vector<16xf32>
      tpu.vector_store %arg11[%swap3A], %swap3A_52 {strides = array<i32>} : memref<128xf32, #tpu.memory_space<vmem>>, vector<16xf32>,
      %broadcast_in_dim3A_53 = arith.constant 0.000000e+00 : f32
      %broadcast_in_dim3A_54 = vector.broadcast %broadcast_in_dim3A_53 : f32 to vector<16xf32>
      %mul3A_55 = arith.constant 16 : i32
      %mul3A_56 = arith.muli %add3A_46, %mul3A_55 : i32
      %swap3A_57 = arith.index_cast %mul3A_56 : i32 to index
      %swap3A_58 = tpu.vector_load %arg12[%swap3A_57] {strides = array<i32>} : memref<128xf32, #tpu.memory_space<vmem>>, vector<16xf32>,
      %swap3A_59 = vector.shape_cast %swap3A_58 : vector<16xf32> to vector<16xf32>
      %swap3A_60 = vector.shape_cast %broadcast_in_dim3A_54 : vector<16xf32> to vector<16xf32>
      tpu.vector_store %arg12[%swap3A_57], %swap3A_60 {strides = array<i32>} : memref<128xf32, #tpu.memory_space<vmem>>, vector<16xf32>,
    }
    %scan3A_6 = arith.constant 8 : i32
    %eq3A = arith.constant 0 : i32
    %eq3A_7 = arith.cmpi eq, %arg0, %eq3A : i32
    %convert_element_type3A = arith.extui %eq3A_7 : i1 to i32
    %cond3A = arith.constant 0 : i32
    %cond3A_8 = arith.cmpi ne, %convert_element_type3A, %cond3A : i32
    scf.if %cond3A_8 {
      "tpu.region"() ({
        %run_scoped3A = tpu.sem_alloc : memref<!tpu.dma_semaphore, #tpu.memory_space<semaphore_mem>>
        %dma_start3A_47 = arith.constant 0 : i32
        %dma_start3A_48 = tpu.memref_slice %arg13[%mul3A_2, %dma_start3A_47] : memref<10240x128xf32, #tpu.memory_space<vmem_shared>> -> memref<640x128xf32, #tpu.memory_space<vmem_shared>>
        %dma_start3A_49 = arith.constant 0 : i32
        %dma_start3A_50 = tpu.memref_slice %arg2[%mul3A_2, %dma_start3A_49] : memref<10240x128xf32, #tpu.memory_space<hbm>> -> memref<640x128xf32, #tpu.memory_space<hbm>>
        tpu.enqueue_dma source(%dma_start3A_50 : memref<640x128xf32, #tpu.memory_space<hbm>>) target(%dma_start3A_48 : memref<640x128xf32, #tpu.memory_space<vmem_shared>>) target_semaphore(%run_scoped3A : memref<!tpu.dma_semaphore, #tpu.memory_space<semaphore_mem>>)
        %dma_wait3A = arith.constant 0 : i32
        %dma_wait3A_51 = tpu.memref_slice %arg13[%mul3A_2, %dma_wait3A] : memref<10240x128xf32, #tpu.memory_space<vmem_shared>> -> memref<640x128xf32, #tpu.memory_space<vmem_shared>>
        %dma_wait3A_52 = arith.constant 0 : i32
        %dma_wait3A_53 = tpu.memref_slice %arg2[%mul3A_2, %dma_wait3A_52] : memref<10240x128xf32, #tpu.memory_space<hbm>> -> memref<640x128xf32, #tpu.memory_space<hbm>>
        tpu.wait_dma2 semaphore(%run_scoped3A : memref<!tpu.dma_semaphore, #tpu.memory_space<semaphore_mem>>) src(%dma_wait3A_53 : memref<640x128xf32, #tpu.memory_space<hbm>>) dst(%dma_wait3A_51 : memref<640x128xf32, #tpu.memory_space<vmem_shared>>)
        tpu.yield
      }) : () -> ()
      %scan3A_42 = arith.constant 0 : i32
      %scan3A_43 = arith.constant 8 : i32
      %scan3A_44 = arith.addi %scan3A_42, %scan3A_43 : i32
      %scan3A_45 = arith.constant 1 : i32
      scf.for %scan3A_47 = %scan3A_42 to %scan3A_44 step %scan3A_45  : i32 {
        %mul3A_48 = arith.constant 1 : i32
        %mul3A_49 = arith.muli %scan3A_47, %mul3A_48 : i32
        %add3A_50 = arith.constant 0 : i32
        %add3A_51 = arith.addi %add3A_50, %mul3A_49 : i32
        %mul3A_52 = arith.constant 80 : i32
        %mul3A_53 = arith.muli %add3A_51, %mul3A_52 : i32
        %add3A_54 = arith.addi %mul3A_2, %mul3A_53 : i32
        "tpu.region"() ({
          %run_scoped3A = tpu.sem_alloc : memref<!tpu.dma_semaphore, #tpu.memory_space<semaphore_mem>>
          %dma_start3A_55 = arith.constant 0 : i32
          %dma_start3A_56 = tpu.memref_slice %arg11[%dma_start3A_55] : memref<128xf32, #tpu.memory_space<vmem>> -> memref<80xf32, #tpu.memory_space<vmem>>
          %dma_start3A_57 = tpu.memref_slice %arg14[%add3A_54] : memref<10240xf32, #tpu.memory_space<vmem_shared>> -> memref<80xf32, #tpu.memory_space<vmem_shared>>
          %dma_start3A_58 = tpu.memref_slice %arg14[%add3A_54] : memref<10240xf32, #tpu.memory_space<vmem_shared>> -> memref<80xf32, #tpu.memory_space<vmem_shared>>
          %dma_start3A_59 = arith.constant 0 : i32
          %dma_start3A_60 = tpu.memref_slice %arg11[%dma_start3A_59] : memref<128xf32, #tpu.memory_space<vmem>> -> memref<80xf32, #tpu.memory_space<vmem>>
          tpu.enqueue_dma source(%dma_start3A_60 : memref<80xf32, #tpu.memory_space<vmem>>) target(%dma_start3A_58 : memref<80xf32, #tpu.memory_space<vmem_shared>>) target_semaphore(%run_scoped3A : memref<!tpu.dma_semaphore, #tpu.memory_space<semaphore_mem>>)
          %dma_wait3A = arith.constant 0 : i32
          %dma_wait3A_61 = tpu.memref_slice %arg11[%dma_wait3A] : memref<128xf32, #tpu.memory_space<vmem>> -> memref<80xf32, #tpu.memory_space<vmem>>
          %dma_wait3A_62 = tpu.memref_slice %arg14[%add3A_54] : memref<10240xf32, #tpu.memory_space<vmem_shared>> -> memref<80xf32, #tpu.memory_space<vmem_shared>>
          %dma_wait3A_63 = tpu.memref_slice %arg14[%add3A_54] : memref<10240xf32, #tpu.memory_space<vmem_shared>> -> memref<80xf32, #tpu.memory_space<vmem_shared>>
          %dma_wait3A_64 = arith.constant 0 : i32
          %dma_wait3A_65 = tpu.memref_slice %arg11[%dma_wait3A_64] : memref<128xf32, #tpu.memory_space<vmem>> -> memref<80xf32, #tpu.memory_space<vmem>>
          tpu.wait_dma2 semaphore(%run_scoped3A : memref<!tpu.dma_semaphore, #tpu.memory_space<semaphore_mem>>) src(%dma_wait3A_65 : memref<80xf32, #tpu.memory_space<vmem>>) dst(%dma_wait3A_63 : memref<80xf32, #tpu.memory_space<vmem_shared>>)
          tpu.yield
        }) : () -> ()
      }
      %scan3A_46 = arith.constant 8 : i32
    } else {
    }
    %ne3A = arith.constant 0 : i32
    %ne3A_9 = arith.cmpi ne, %arg0, %ne3A : i32
    %convert_element_type3A_10 = arith.extui %ne3A_9 : i1 to i32
    %cond3A_11 = arith.constant 0 : i32
    %cond3A_12 = arith.cmpi ne, %convert_element_type3A_10, %cond3A_11 : i32
    scf.if %cond3A_12 {
      %scan3A_42 = arith.constant 0 : i32
      %scan3A_43 = arith.constant 640 : i32
      %scan3A_44 = arith.addi %scan3A_42, %scan3A_43 : i32
      %scan3A_45 = arith.constant 1 : i32
      scf.for %scan3A_52 = %scan3A_42 to %scan3A_44 step %scan3A_45  : i32 {
        %mul3A_53 = arith.constant 1 : i32
        %mul3A_54 = arith.muli %scan3A_52, %mul3A_53 : i32
        %add3A_55 = arith.constant 0 : i32
        %add3A_56 = arith.addi %add3A_55, %mul3A_54 : i32
        %jit3A = arith.constant 8 : i32
        %div3A = arith.divsi %add3A_56, %jit3A : i32
        %sign3A = arith.constant 0 : i32
        %sign3A_57 = arith.cmpi sgt, %add3A_56, %sign3A : i32
        %sign3A_58 = arith.extui %sign3A_57 : i1 to i32
        %sign3A_59 = arith.constant 0 : i32
        %sign3A_60 = arith.cmpi slt, %add3A_56, %sign3A_59 : i32
        %sign3A_61 = arith.extui %sign3A_60 : i1 to i32
        %sign3A_62 = arith.subi %sign3A_58, %sign3A_61 : i32
        %sign3A_63 = arith.constant 0 : i32
        %sign3A_64 = arith.cmpi sgt, %jit3A, %sign3A_63 : i32
        %sign3A_65 = arith.extui %sign3A_64 : i1 to i32
        %sign3A_66 = arith.constant 0 : i32
        %sign3A_67 = arith.cmpi slt, %jit3A, %sign3A_66 : i32
        %sign3A_68 = arith.extui %sign3A_67 : i1 to i32
        %sign3A_69 = arith.subi %sign3A_65, %sign3A_68 : i32
        %ne3A_70 = arith.cmpi ne, %sign3A_62, %sign3A_69 : i32
        %rem3A = arith.remsi %add3A_56, %jit3A : i32
        %ne3A_71 = arith.constant 0 : i32
        %ne3A_72 = arith.cmpi ne, %rem3A, %ne3A_71 : i32
        %and3A = arith.andi %ne3A_70, %ne3A_72 : i1
        %sub3A = arith.constant 1 : i32
        %sub3A_73 = arith.subi %div3A, %sub3A : i32
        %select_n3A = arith.select %and3A, %sub3A_73, %div3A : i32
        %jit3A_74 = arith.constant 8 : i32
        %eq3A_75 = arith.constant 0 : i32
        %eq3A_76 = arith.cmpi eq, %jit3A_74, %eq3A_75 : i32
        %jit3A_77 = arith.constant 1 : i32
        %select_n3A_78 = arith.select %eq3A_76, %jit3A_77, %jit3A_74 : i32
        %rem3A_79 = arith.remsi %add3A_56, %select_n3A_78 : i32
        %ne3A_80 = arith.constant 0 : i32
        %ne3A_81 = arith.cmpi ne, %rem3A_79, %ne3A_80 : i32
        %lt3A = arith.constant 0 : i32
        %lt3A_82 = arith.cmpi slt, %rem3A_79, %lt3A : i32
        %lt3A_83 = arith.constant 0 : i32
        %lt3A_84 = arith.cmpi slt, %select_n3A_78, %lt3A_83 : i32
        %ne3A_85 = arith.xori %lt3A_82, %lt3A_84 : i1
        %and3A_86 = arith.andi %ne3A_85, %ne3A_81 : i1
        %add3A_87 = arith.addi %rem3A_79, %select_n3A_78 : i32
        %select_n3A_88 = arith.select %and3A_86, %add3A_87, %rem3A_79 : i32
        %broadcast_in_dim3A = arith.constant 0.000000e+00 : f32
        %broadcast_in_dim3A_89 = vector.broadcast %broadcast_in_dim3A : f32 to vector<16xf32>
        %mul3A_90 = arith.constant 16 : i32
        %mul3A_91 = arith.muli %select_n3A_88, %mul3A_90 : i32
        %swap3A = arith.index_cast %select_n3A : i32 to index
        %swap3A_92 = arith.index_cast %mul3A_91 : i32 to index
        %swap3A_93 = tpu.vector_load %arg9[%swap3A, %swap3A_92] {strides = array<i32>} : memref<125x128xf32, #tpu.memory_space<vmem>>, vector<1x16xf32>,
        %swap3A_94 = vector.shape_cast %swap3A_93 : vector<1x16xf32> to vector<16xf32>
        %swap3A_95 = vector.shape_cast %broadcast_in_dim3A_89 : vector<16xf32> to vector<1x16xf32>
        tpu.vector_store %arg9[%swap3A, %swap3A_92], %swap3A_95 {strides = array<i32>} : memref<125x128xf32, #tpu.memory_space<vmem>>, vector<1x16xf32>,
      }
      %scan3A_46 = arith.constant 640 : i32
      %scan3A_47 = arith.constant 0 : i32
      %scan3A_48 = arith.constant 8 : i32
      %scan3A_49 = arith.addi %scan3A_47, %scan3A_48 : i32
      %scan3A_50 = arith.constant 1 : i32
      scf.for %scan3A_52 = %scan3A_47 to %scan3A_49 step %scan3A_50  : i32 {
        %mul3A_53 = arith.constant 1 : i32
        %mul3A_54 = arith.muli %scan3A_52, %mul3A_53 : i32
        %add3A_55 = arith.constant 0 : i32
        %add3A_56 = arith.addi %add3A_55, %mul3A_54 : i32
        %mul3A_57 = arith.constant 80 : i32
        %mul3A_58 = arith.muli %add3A_56, %mul3A_57 : i32
        %add3A_59 = arith.addi %mul3A_2, %mul3A_58 : i32
        "tpu.region"() ({
          %run_scoped3A = tpu.sem_alloc : memref<!tpu.dma_semaphore, #tpu.memory_space<semaphore_mem>>
          %dma_start3A_63 = arith.constant 0 : i32
          %dma_start3A_64 = arith.constant 0 : i32
          %dma_start3A_65 = tpu.memref_slice %arg9[%dma_start3A_63, %dma_start3A_64] : memref<125x128xf32, #tpu.memory_space<vmem>> -> memref<80x128xf32, #tpu.memory_space<vmem>>
          %dma_start3A_66 = arith.constant 0 : i32
          %dma_start3A_67 = tpu.memref_slice %arg13[%add3A_59, %dma_start3A_66] : memref<10240x128xf32, #tpu.memory_space<vmem_shared>> -> memref<80x128xf32, #tpu.memory_space<vmem_shared>>
          %dma_start3A_68 = arith.constant 0 : i32
          %dma_start3A_69 = tpu.memref_slice %arg13[%add3A_59, %dma_start3A_68] : memref<10240x128xf32, #tpu.memory_space<vmem_shared>> -> memref<80x128xf32, #tpu.memory_space<vmem_shared>>
          %dma_start3A_70 = arith.constant 0 : i32
          %dma_start3A_71 = arith.constant 0 : i32
          %dma_start3A_72 = tpu.memref_slice %arg9[%dma_start3A_70, %dma_start3A_71] : memref<125x128xf32, #tpu.memory_space<vmem>> -> memref<80x128xf32, #tpu.memory_space<vmem>>
          tpu.enqueue_dma source(%dma_start3A_72 : memref<80x128xf32, #tpu.memory_space<vmem>>) target(%dma_start3A_69 : memref<80x128xf32, #tpu.memory_space<vmem_shared>>) target_semaphore(%run_scoped3A : memref<!tpu.dma_semaphore, #tpu.memory_space<semaphore_mem>>)
          %dma_wait3A = arith.constant 0 : i32
          %dma_wait3A_73 = arith.constant 0 : i32
          %dma_wait3A_74 = tpu.memref_slice %arg9[%dma_wait3A, %dma_wait3A_73] : memref<125x128xf32, #tpu.memory_space<vmem>> -> memref<80x128xf32, #tpu.memory_space<vmem>>
          %dma_wait3A_75 = arith.constant 0 : i32
          %dma_wait3A_76 = tpu.memref_slice %arg13[%add3A_59, %dma_wait3A_75] : memref<10240x128xf32, #tpu.memory_space<vmem_shared>> -> memref<80x128xf32, #tpu.memory_space<vmem_shared>>
          %dma_wait3A_77 = arith.constant 0 : i32
          %dma_wait3A_78 = tpu.memref_slice %arg13[%add3A_59, %dma_wait3A_77] : memref<10240x128xf32, #tpu.memory_space<vmem_shared>> -> memref<80x128xf32, #tpu.memory_space<vmem_shared>>
          %dma_wait3A_79 = arith.constant 0 : i32
          %dma_wait3A_80 = arith.constant 0 : i32
          %dma_wait3A_81 = tpu.memref_slice %arg9[%dma_wait3A_79, %dma_wait3A_80] : memref<125x128xf32, #tpu.memory_space<vmem>> -> memref<80x128xf32, #tpu.memory_space<vmem>>
          tpu.wait_dma2 semaphore(%run_scoped3A : memref<!tpu.dma_semaphore, #tpu.memory_space<semaphore_mem>>) src(%dma_wait3A_81 : memref<80x128xf32, #tpu.memory_space<vmem>>) dst(%dma_wait3A_78 : memref<80x128xf32, #tpu.memory_space<vmem_shared>>)
          tpu.yield
        }) : () -> ()
        %mul3A_60 = arith.constant 80 : i32
        %mul3A_61 = arith.muli %add3A_56, %mul3A_60 : i32
        %add3A_62 = arith.addi %mul3A_2, %mul3A_61 : i32
        "tpu.region"() ({
          %run_scoped3A = tpu.sem_alloc : memref<!tpu.dma_semaphore, #tpu.memory_space<semaphore_mem>>
          %dma_start3A_63 = arith.constant 0 : i32
          %dma_start3A_64 = tpu.memref_slice %arg12[%dma_start3A_63] : memref<128xf32, #tpu.memory_space<vmem>> -> memref<80xf32, #tpu.memory_space<vmem>>
          %dma_start3A_65 = tpu.memref_slice %arg14[%add3A_62] : memref<10240xf32, #tpu.memory_space<vmem_shared>> -> memref<80xf32, #tpu.memory_space<vmem_shared>>
          %dma_start3A_66 = tpu.memref_slice %arg14[%add3A_62] : memref<10240xf32, #tpu.memory_space<vmem_shared>> -> memref<80xf32, #tpu.memory_space<vmem_shared>>
          %dma_start3A_67 = arith.constant 0 : i32
          %dma_start3A_68 = tpu.memref_slice %arg12[%dma_start3A_67] : memref<128xf32, #tpu.memory_space<vmem>> -> memref<80xf32, #tpu.memory_space<vmem>>
          tpu.enqueue_dma source(%dma_start3A_68 : memref<80xf32, #tpu.memory_space<vmem>>) target(%dma_start3A_66 : memref<80xf32, #tpu.memory_space<vmem_shared>>) target_semaphore(%run_scoped3A : memref<!tpu.dma_semaphore, #tpu.memory_space<semaphore_mem>>)
          %dma_wait3A = arith.constant 0 : i32
          %dma_wait3A_69 = tpu.memref_slice %arg12[%dma_wait3A] : memref<128xf32, #tpu.memory_space<vmem>> -> memref<80xf32, #tpu.memory_space<vmem>>
          %dma_wait3A_70 = tpu.memref_slice %arg14[%add3A_62] : memref<10240xf32, #tpu.memory_space<vmem_shared>> -> memref<80xf32, #tpu.memory_space<vmem_shared>>
          %dma_wait3A_71 = tpu.memref_slice %arg14[%add3A_62] : memref<10240xf32, #tpu.memory_space<vmem_shared>> -> memref<80xf32, #tpu.memory_space<vmem_shared>>
          %dma_wait3A_72 = arith.constant 0 : i32
          %dma_wait3A_73 = tpu.memref_slice %arg12[%dma_wait3A_72] : memref<128xf32, #tpu.memory_space<vmem>> -> memref<80xf32, #tpu.memory_space<vmem>>
          tpu.wait_dma2 semaphore(%run_scoped3A : memref<!tpu.dma_semaphore, #tpu.memory_space<semaphore_mem>>) src(%dma_wait3A_73 : memref<80xf32, #tpu.memory_space<vmem>>) dst(%dma_wait3A_71 : memref<80xf32, #tpu.memory_space<vmem_shared>>)
          tpu.yield
        }) : () -> ()
      }
      %scan3A_51 = arith.constant 8 : i32
    } else {
    }
    %barrier3A = arith.constant 0 : index
    tpu.barrier barrier_id(%barrier3A)
    "tpu.region"() ({
      %run_scoped3A = tpu.sem_alloc : memref<!tpu.dma_semaphore, #tpu.memory_space<semaphore_mem>>
      %dma_start3A_42 = arith.constant 0 : i32
      %dma_start3A_43 = arith.constant 0 : i32
      %dma_start3A_44 = tpu.memref_slice %arg3[%add3A, %dma_start3A_42, %dma_start3A_43] : memref<32x80x125xi32, #tpu.memory_space<hbm>> -> memref<1x40x125xi32, #tpu.memory_space<hbm>>
      %dma_start3A_45 = tpu.memref_squeeze %dma_start3A_44 : memref<1x40x125xi32, #tpu.memory_space<hbm>> -> memref<40x125xi32, #tpu.memory_space<hbm>>
      %dma_start3A_46 = arith.constant 0 : i32
      %dma_start3A_47 = arith.constant 0 : i32
      %dma_start3A_48 = tpu.memref_slice %arg3[%add3A, %dma_start3A_46, %dma_start3A_47] : memref<32x80x125xi32, #tpu.memory_space<hbm>> -> memref<1x40x125xi32, #tpu.memory_space<hbm>>
      %dma_start3A_49 = tpu.memref_squeeze %dma_start3A_48 : memref<1x40x125xi32, #tpu.memory_space<hbm>> -> memref<40x125xi32, #tpu.memory_space<hbm>>
      tpu.enqueue_dma source(%dma_start3A_49 : memref<40x125xi32, #tpu.memory_space<hbm>>) target(%arg7 : memref<40x125xi32, #tpu.memory_space<vmem>>) target_semaphore(%run_scoped3A : memref<!tpu.dma_semaphore, #tpu.memory_space<semaphore_mem>>)
      %dma_wait3A = arith.constant 0 : i32
      %dma_wait3A_50 = arith.constant 0 : i32
      %dma_wait3A_51 = tpu.memref_slice %arg3[%add3A, %dma_wait3A, %dma_wait3A_50] : memref<32x80x125xi32, #tpu.memory_space<hbm>> -> memref<1x40x125xi32, #tpu.memory_space<hbm>>
      %dma_wait3A_52 = tpu.memref_squeeze %dma_wait3A_51 : memref<1x40x125xi32, #tpu.memory_space<hbm>> -> memref<40x125xi32, #tpu.memory_space<hbm>>
      %dma_wait3A_53 = arith.constant 0 : i32
      %dma_wait3A_54 = arith.constant 0 : i32
      %dma_wait3A_55 = tpu.memref_slice %arg3[%add3A, %dma_wait3A_53, %dma_wait3A_54] : memref<32x80x125xi32, #tpu.memory_space<hbm>> -> memref<1x40x125xi32, #tpu.memory_space<hbm>>
      %dma_wait3A_56 = tpu.memref_squeeze %dma_wait3A_55 : memref<1x40x125xi32, #tpu.memory_space<hbm>> -> memref<40x125xi32, #tpu.memory_space<hbm>>
      tpu.wait_dma2 semaphore(%run_scoped3A : memref<!tpu.dma_semaphore, #tpu.memory_space<semaphore_mem>>) src(%dma_wait3A_56 : memref<40x125xi32, #tpu.memory_space<hbm>>) dst(%arg7 : memref<40x125xi32, #tpu.memory_space<vmem>>)
      tpu.yield
    }) : () -> ()
    "tpu.region"() ({
      %run_scoped3A = tpu.sem_alloc : memref<!tpu.dma_semaphore, #tpu.memory_space<semaphore_mem>>
      %dma_start3A_42 = arith.constant 0 : i32
      %dma_start3A_43 = arith.constant 0 : i32
      %dma_start3A_44 = tpu.memref_slice %arg4[%add3A, %dma_start3A_42, %dma_start3A_43] : memref<32x80x125xi32, #tpu.memory_space<hbm>> -> memref<1x40x125xi32, #tpu.memory_space<hbm>>
      %dma_start3A_45 = tpu.memref_squeeze %dma_start3A_44 : memref<1x40x125xi32, #tpu.memory_space<hbm>> -> memref<40x125xi32, #tpu.memory_space<hbm>>
      %dma_start3A_46 = arith.constant 0 : i32
      %dma_start3A_47 = arith.constant 0 : i32
      %dma_start3A_48 = tpu.memref_slice %arg4[%add3A, %dma_start3A_46, %dma_start3A_47] : memref<32x80x125xi32, #tpu.memory_space<hbm>> -> memref<1x40x125xi32, #tpu.memory_space<hbm>>
      %dma_start3A_49 = tpu.memref_squeeze %dma_start3A_48 : memref<1x40x125xi32, #tpu.memory_space<hbm>> -> memref<40x125xi32, #tpu.memory_space<hbm>>
      tpu.enqueue_dma source(%dma_start3A_49 : memref<40x125xi32, #tpu.memory_space<hbm>>) target(%arg8 : memref<40x125xi32, #tpu.memory_space<vmem>>) target_semaphore(%run_scoped3A : memref<!tpu.dma_semaphore, #tpu.memory_space<semaphore_mem>>)
      %dma_wait3A = arith.constant 0 : i32
      %dma_wait3A_50 = arith.constant 0 : i32
      %dma_wait3A_51 = tpu.memref_slice %arg4[%add3A, %dma_wait3A, %dma_wait3A_50] : memref<32x80x125xi32, #tpu.memory_space<hbm>> -> memref<1x40x125xi32, #tpu.memory_space<hbm>>
      %dma_wait3A_52 = tpu.memref_squeeze %dma_wait3A_51 : memref<1x40x125xi32, #tpu.memory_space<hbm>> -> memref<40x125xi32, #tpu.memory_space<hbm>>
      %dma_wait3A_53 = arith.constant 0 : i32
      %dma_wait3A_54 = arith.constant 0 : i32
      %dma_wait3A_55 = tpu.memref_slice %arg4[%add3A, %dma_wait3A_53, %dma_wait3A_54] : memref<32x80x125xi32, #tpu.memory_space<hbm>> -> memref<1x40x125xi32, #tpu.memory_space<hbm>>
      %dma_wait3A_56 = tpu.memref_squeeze %dma_wait3A_55 : memref<1x40x125xi32, #tpu.memory_space<hbm>> -> memref<40x125xi32, #tpu.memory_space<hbm>>
      tpu.wait_dma2 semaphore(%run_scoped3A : memref<!tpu.dma_semaphore, #tpu.memory_space<semaphore_mem>>) src(%dma_wait3A_56 : memref<40x125xi32, #tpu.memory_space<hbm>>) dst(%arg8 : memref<40x125xi32, #tpu.memory_space<vmem>>)
      tpu.yield
    }) : () -> ()
    %dma_start3A = arith.constant 0 : i32
    %dma_start3A_13 = arith.constant 0 : i32
    %dma_start3A_14 = tpu.memref_slice %arg7[%dma_start3A, %dma_start3A_13] : memref<40x125xi32, #tpu.memory_space<vmem>> -> memref<1x125xi32, #tpu.memory_space<vmem>>
    %dma_start3A_15 = tpu.memref_squeeze %dma_start3A_14 : memref<1x125xi32, #tpu.memory_space<vmem>> -> memref<125xi32, #tpu.memory_space<vmem>>
    %dma_start3A_16 = arith.constant 0 : i32
    %dma_start3A_17 = arith.constant 0 : i32
    %dma_start3A_18 = tpu.memref_slice %arg2[%dma_start3A_16, %dma_start3A_17] : memref<10240x128xf32, #tpu.memory_space<hbm>> -> memref<10240x128xf32, #tpu.memory_space<hbm>>
    tpu.enqueue_indirect_dma source(%dma_start3A_18 : memref<10240x128xf32, #tpu.memory_space<hbm>>) target(%arg9 : memref<125x128xf32, #tpu.memory_space<vmem>>) offsets(%dma_start3A_15 : memref<125xi32, #tpu.memory_space<vmem>>) semaphore(%arg15 : memref<!tpu.dma_semaphore, #tpu.memory_space<semaphore_mem>>)
    %scan3A_19 = arith.constant 0 : i32
    %scan3A_20 = arith.constant 20 : i32
    %scan3A_21 = arith.addi %scan3A_19, %scan3A_20 : i32
    %scan3A_22 = arith.constant 1 : i32
    scf.for %scan3A_42 = %scan3A_19 to %scan3A_21 step %scan3A_22  : i32 {
      %mul3A_43 = arith.constant 2 : i32
      %mul3A_44 = arith.muli %scan3A_42, %mul3A_43 : i32
      %add3A_45 = arith.constant 0 : i32
      %add3A_46 = arith.addi %add3A_45, %mul3A_44 : i32
      %add3A_47 = arith.constant 1 : i32
      %add3A_48 = arith.addi %add3A_46, %add3A_47 : i32
      %dma_start3A_49 = arith.constant 0 : i32
      %dma_start3A_50 = tpu.memref_slice %arg7[%add3A_48, %dma_start3A_49] : memref<40x125xi32, #tpu.memory_space<vmem>> -> memref<1x125xi32, #tpu.memory_space<vmem>>
      %dma_start3A_51 = tpu.memref_squeeze %dma_start3A_50 : memref<1x125xi32, #tpu.memory_space<vmem>> -> memref<125xi32, #tpu.memory_space<vmem>>
      %dma_start3A_52 = arith.constant 0 : i32
      %dma_start3A_53 = arith.constant 0 : i32
      %dma_start3A_54 = tpu.memref_slice %arg2[%dma_start3A_52, %dma_start3A_53] : memref<10240x128xf32, #tpu.memory_space<hbm>> -> memref<10240x128xf32, #tpu.memory_space<hbm>>
      tpu.enqueue_indirect_dma source(%dma_start3A_54 : memref<10240x128xf32, #tpu.memory_space<hbm>>) target(%arg10 : memref<125x128xf32, #tpu.memory_space<vmem>>) offsets(%dma_start3A_51 : memref<125xi32, #tpu.memory_space<vmem>>) semaphore(%arg16 : memref<!tpu.dma_semaphore, #tpu.memory_space<semaphore_mem>>)
      %dma_wait3A = arith.constant 0 : i32
      %dma_wait3A_55 = tpu.memref_slice %arg7[%add3A_46, %dma_wait3A] : memref<40x125xi32, #tpu.memory_space<vmem>> -> memref<1x125xi32, #tpu.memory_space<vmem>>
      %dma_wait3A_56 = tpu.memref_squeeze %dma_wait3A_55 : memref<1x125xi32, #tpu.memory_space<vmem>> -> memref<125xi32, #tpu.memory_space<vmem>>
      %dma_wait3A_57 = arith.constant 0 : i32
      %dma_wait3A_58 = arith.constant 0 : i32
      %dma_wait3A_59 = tpu.memref_slice %arg2[%dma_wait3A_57, %dma_wait3A_58] : memref<10240x128xf32, #tpu.memory_space<hbm>> -> memref<10240x128xf32, #tpu.memory_space<hbm>>
      tpu.wait_indirect_dma semaphore(%arg15 : memref<!tpu.dma_semaphore, #tpu.memory_space<semaphore_mem>>) src(%dma_wait3A_59 : memref<10240x128xf32, #tpu.memory_space<hbm>>) dst(%arg9 : memref<125x128xf32, #tpu.memory_space<vmem>>)
      "tpu.region"() ({
        %run_scoped3A = tpu.sem_alloc : memref<!tpu.dma_semaphore, #tpu.memory_space<semaphore_mem>>
        %dma_start3A_78 = arith.constant 0 : i32
        %dma_start3A_79 = tpu.memref_slice %arg8[%add3A_46, %dma_start3A_78] : memref<40x125xi32, #tpu.memory_space<vmem>> -> memref<1x125xi32, #tpu.memory_space<vmem>>
        %dma_start3A_80 = tpu.memref_squeeze %dma_start3A_79 : memref<1x125xi32, #tpu.memory_space<vmem>> -> memref<125xi32, #tpu.memory_space<vmem>>
        %dma_start3A_81 = arith.constant 0 : i32
        %dma_start3A_82 = arith.constant 0 : i32
        %dma_start3A_83 = tpu.memref_slice %arg13[%dma_start3A_81, %dma_start3A_82] : memref<10240x128xf32, #tpu.memory_space<vmem_shared>> -> memref<10240x128xf32, #tpu.memory_space<vmem_shared>>
        tpu.enqueue_indirect_dma source(%arg9 : memref<125x128xf32, #tpu.memory_space<vmem>>) target(%dma_start3A_83 : memref<10240x128xf32, #tpu.memory_space<vmem_shared>>) offsets(%dma_start3A_80 : memref<125xi32, #tpu.memory_space<vmem>>) semaphore(%run_scoped3A : memref<!tpu.dma_semaphore, #tpu.memory_space<semaphore_mem>>) {add = true}
        %dma_wait3A_84 = arith.constant 0 : i32
        %dma_wait3A_85 = tpu.memref_slice %arg8[%add3A_46, %dma_wait3A_84] : memref<40x125xi32, #tpu.memory_space<vmem>> -> memref<1x125xi32, #tpu.memory_space<vmem>>
        %dma_wait3A_86 = tpu.memref_squeeze %dma_wait3A_85 : memref<1x125xi32, #tpu.memory_space<vmem>> -> memref<125xi32, #tpu.memory_space<vmem>>
        %dma_wait3A_87 = arith.constant 0 : i32
        %dma_wait3A_88 = arith.constant 0 : i32
        %dma_wait3A_89 = tpu.memref_slice %arg13[%dma_wait3A_87, %dma_wait3A_88] : memref<10240x128xf32, #tpu.memory_space<vmem_shared>> -> memref<10240x128xf32, #tpu.memory_space<vmem_shared>>
        tpu.wait_indirect_dma semaphore(%run_scoped3A : memref<!tpu.dma_semaphore, #tpu.memory_space<semaphore_mem>>) src(%arg9 : memref<125x128xf32, #tpu.memory_space<vmem>>) dst(%dma_wait3A_89 : memref<10240x128xf32, #tpu.memory_space<vmem_shared>>)
        tpu.yield
      }) : () -> ()
      "tpu.region"() ({
        %run_scoped3A = tpu.sem_alloc : memref<!tpu.dma_semaphore, #tpu.memory_space<semaphore_mem>>
        %dma_start3A_78 = arith.constant 0 : i32
        %dma_start3A_79 = tpu.memref_slice %arg11[%dma_start3A_78] : memref<128xf32, #tpu.memory_space<vmem>> -> memref<125xf32, #tpu.memory_space<vmem>>
        %dma_start3A_80 = arith.constant 0 : i32
        %dma_start3A_81 = tpu.memref_slice %arg8[%add3A_46, %dma_start3A_80] : memref<40x125xi32, #tpu.memory_space<vmem>> -> memref<1x125xi32, #tpu.memory_space<vmem>>
        %dma_start3A_82 = tpu.memref_squeeze %dma_start3A_81 : memref<1x125xi32, #tpu.memory_space<vmem>> -> memref<125xi32, #tpu.memory_space<vmem>>
        %dma_start3A_83 = arith.constant 0 : i32
        %dma_start3A_84 = tpu.memref_slice %arg14[%dma_start3A_83] : memref<10240xf32, #tpu.memory_space<vmem_shared>> -> memref<10240xf32, #tpu.memory_space<vmem_shared>>
        tpu.enqueue_indirect_dma source(%dma_start3A_79 : memref<125xf32, #tpu.memory_space<vmem>>) target(%dma_start3A_84 : memref<10240xf32, #tpu.memory_space<vmem_shared>>) offsets(%dma_start3A_82 : memref<125xi32, #tpu.memory_space<vmem>>) semaphore(%run_scoped3A : memref<!tpu.dma_semaphore, #tpu.memory_space<semaphore_mem>>) {add = true}
        %dma_wait3A_85 = arith.constant 0 : i32
        %dma_wait3A_86 = tpu.memref_slice %arg11[%dma_wait3A_85] : memref<128xf32, #tpu.memory_space<vmem>> -> memref<125xf32, #tpu.memory_space<vmem>>
        %dma_wait3A_87 = arith.constant 0 : i32
        %dma_wait3A_88 = tpu.memref_slice %arg8[%add3A_46, %dma_wait3A_87] : memref<40x125xi32, #tpu.memory_space<vmem>> -> memref<1x125xi32, #tpu.memory_space<vmem>>
        %dma_wait3A_89 = tpu.memref_squeeze %dma_wait3A_88 : memref<1x125xi32, #tpu.memory_space<vmem>> -> memref<125xi32, #tpu.memory_space<vmem>>
        %dma_wait3A_90 = arith.constant 0 : i32
        %dma_wait3A_91 = tpu.memref_slice %arg14[%dma_wait3A_90] : memref<10240xf32, #tpu.memory_space<vmem_shared>> -> memref<10240xf32, #tpu.memory_space<vmem_shared>>
        tpu.wait_indirect_dma semaphore(%run_scoped3A : memref<!tpu.dma_semaphore, #tpu.memory_space<semaphore_mem>>) src(%dma_wait3A_86 : memref<125xf32, #tpu.memory_space<vmem>>) dst(%dma_wait3A_91 : memref<10240xf32, #tpu.memory_space<vmem_shared>>)
        tpu.yield
      }) : () -> ()
      %add3A_60 = arith.constant 2 : i32
      %add3A_61 = arith.addi %add3A_46, %add3A_60 : i32
      %lt3A = arith.constant 40 : i32
      %lt3A_62 = arith.cmpi slt, %add3A_61, %lt3A : i32
      %convert_element_type3A_63 = arith.extui %lt3A_62 : i1 to i32
      %cond3A_64 = arith.constant 0 : i32
      %cond3A_65 = arith.cmpi ne, %convert_element_type3A_63, %cond3A_64 : i32
      scf.if %cond3A_65 {
        %add3A_78 = arith.constant 2 : i32
        %add3A_79 = arith.addi %add3A_46, %add3A_78 : i32
        %dma_start3A_80 = arith.constant 0 : i32
        %dma_start3A_81 = tpu.memref_slice %arg7[%add3A_79, %dma_start3A_80] : memref<40x125xi32, #tpu.memory_space<vmem>> -> memref<1x125xi32, #tpu.memory_space<vmem>>
        %dma_start3A_82 = tpu.memref_squeeze %dma_start3A_81 : memref<1x125xi32, #tpu.memory_space<vmem>> -> memref<125xi32, #tpu.memory_space<vmem>>
        %dma_start3A_83 = arith.constant 0 : i32
        %dma_start3A_84 = arith.constant 0 : i32
        %dma_start3A_85 = tpu.memref_slice %arg2[%dma_start3A_83, %dma_start3A_84] : memref<10240x128xf32, #tpu.memory_space<hbm>> -> memref<10240x128xf32, #tpu.memory_space<hbm>>
        tpu.enqueue_indirect_dma source(%dma_start3A_85 : memref<10240x128xf32, #tpu.memory_space<hbm>>) target(%arg9 : memref<125x128xf32, #tpu.memory_space<vmem>>) offsets(%dma_start3A_82 : memref<125xi32, #tpu.memory_space<vmem>>) semaphore(%arg15 : memref<!tpu.dma_semaphore, #tpu.memory_space<semaphore_mem>>)
      } else {
      }
      %add3A_66 = arith.constant 1 : i32
      %add3A_67 = arith.addi %add3A_46, %add3A_66 : i32
      %dma_wait3A_68 = arith.constant 0 : i32
      %dma_wait3A_69 = tpu.memref_slice %arg7[%add3A_67, %dma_wait3A_68] : memref<40x125xi32, #tpu.memory_space<vmem>> -> memref<1x125xi32, #tpu.memory_space<vmem>>
      %dma_wait3A_70 = tpu.memref_squeeze %dma_wait3A_69 : memref<1x125xi32, #tpu.memory_space<vmem>> -> memref<125xi32, #tpu.memory_space<vmem>>
      %dma_wait3A_71 = arith.constant 0 : i32
      %dma_wait3A_72 = arith.constant 0 : i32
      %dma_wait3A_73 = tpu.memref_slice %arg2[%dma_wait3A_71, %dma_wait3A_72] : memref<10240x128xf32, #tpu.memory_space<hbm>> -> memref<10240x128xf32, #tpu.memory_space<hbm>>
      tpu.wait_indirect_dma semaphore(%arg16 : memref<!tpu.dma_semaphore, #tpu.memory_space<semaphore_mem>>) src(%dma_wait3A_73 : memref<10240x128xf32, #tpu.memory_space<hbm>>) dst(%arg10 : memref<125x128xf32, #tpu.memory_space<vmem>>)
      %add3A_74 = arith.constant 1 : i32
      %add3A_75 = arith.addi %add3A_46, %add3A_74 : i32
      "tpu.region"() ({
        %run_scoped3A = tpu.sem_alloc : memref<!tpu.dma_semaphore, #tpu.memory_space<semaphore_mem>>
        %dma_start3A_78 = arith.constant 0 : i32
        %dma_start3A_79 = tpu.memref_slice %arg8[%add3A_75, %dma_start3A_78] : memref<40x125xi32, #tpu.memory_space<vmem>> -> memref<1x125xi32, #tpu.memory_space<vmem>>
        %dma_start3A_80 = tpu.memref_squeeze %dma_start3A_79 : memref<1x125xi32, #tpu.memory_space<vmem>> -> memref<125xi32, #tpu.memory_space<vmem>>
        %dma_start3A_81 = arith.constant 0 : i32
        %dma_start3A_82 = arith.constant 0 : i32
        %dma_start3A_83 = tpu.memref_slice %arg13[%dma_start3A_81, %dma_start3A_82] : memref<10240x128xf32, #tpu.memory_space<vmem_shared>> -> memref<10240x128xf32, #tpu.memory_space<vmem_shared>>
        tpu.enqueue_indirect_dma source(%arg10 : memref<125x128xf32, #tpu.memory_space<vmem>>) target(%dma_start3A_83 : memref<10240x128xf32, #tpu.memory_space<vmem_shared>>) offsets(%dma_start3A_80 : memref<125xi32, #tpu.memory_space<vmem>>) semaphore(%run_scoped3A : memref<!tpu.dma_semaphore, #tpu.memory_space<semaphore_mem>>) {add = true}
        %dma_wait3A_84 = arith.constant 0 : i32
        %dma_wait3A_85 = tpu.memref_slice %arg8[%add3A_75, %dma_wait3A_84] : memref<40x125xi32, #tpu.memory_space<vmem>> -> memref<1x125xi32, #tpu.memory_space<vmem>>
        %dma_wait3A_86 = tpu.memref_squeeze %dma_wait3A_85 : memref<1x125xi32, #tpu.memory_space<vmem>> -> memref<125xi32, #tpu.memory_space<vmem>>
        %dma_wait3A_87 = arith.constant 0 : i32
        %dma_wait3A_88 = arith.constant 0 : i32
        %dma_wait3A_89 = tpu.memref_slice %arg13[%dma_wait3A_87, %dma_wait3A_88] : memref<10240x128xf32, #tpu.memory_space<vmem_shared>> -> memref<10240x128xf32, #tpu.memory_space<vmem_shared>>
        tpu.wait_indirect_dma semaphore(%run_scoped3A : memref<!tpu.dma_semaphore, #tpu.memory_space<semaphore_mem>>) src(%arg10 : memref<125x128xf32, #tpu.memory_space<vmem>>) dst(%dma_wait3A_89 : memref<10240x128xf32, #tpu.memory_space<vmem_shared>>)
        tpu.yield
      }) : () -> ()
      %add3A_76 = arith.constant 1 : i32
      %add3A_77 = arith.addi %add3A_46, %add3A_76 : i32
      "tpu.region"() ({
        %run_scoped3A = tpu.sem_alloc : memref<!tpu.dma_semaphore, #tpu.memory_space<semaphore_mem>>
        %dma_start3A_78 = arith.constant 0 : i32
        %dma_start3A_79 = tpu.memref_slice %arg11[%dma_start3A_78] : memref<128xf32, #tpu.memory_space<vmem>> -> memref<125xf32, #tpu.memory_space<vmem>>
        %dma_start3A_80 = arith.constant 0 : i32
        %dma_start3A_81 = tpu.memref_slice %arg8[%add3A_77, %dma_start3A_80] : memref<40x125xi32, #tpu.memory_space<vmem>> -> memref<1x125xi32, #tpu.memory_space<vmem>>
        %dma_start3A_82 = tpu.memref_squeeze %dma_start3A_81 : memref<1x125xi32, #tpu.memory_space<vmem>> -> memref<125xi32, #tpu.memory_space<vmem>>
        %dma_start3A_83 = arith.constant 0 : i32
        %dma_start3A_84 = tpu.memref_slice %arg14[%dma_start3A_83] : memref<10240xf32, #tpu.memory_space<vmem_shared>> -> memref<10240xf32, #tpu.memory_space<vmem_shared>>
        tpu.enqueue_indirect_dma source(%dma_start3A_79 : memref<125xf32, #tpu.memory_space<vmem>>) target(%dma_start3A_84 : memref<10240xf32, #tpu.memory_space<vmem_shared>>) offsets(%dma_start3A_82 : memref<125xi32, #tpu.memory_space<vmem>>) semaphore(%run_scoped3A : memref<!tpu.dma_semaphore, #tpu.memory_space<semaphore_mem>>) {add = true}
        %dma_wait3A_85 = arith.constant 0 : i32
        %dma_wait3A_86 = tpu.memref_slice %arg11[%dma_wait3A_85] : memref<128xf32, #tpu.memory_space<vmem>> -> memref<125xf32, #tpu.memory_space<vmem>>
        %dma_wait3A_87 = arith.constant 0 : i32
        %dma_wait3A_88 = tpu.memref_slice %arg8[%add3A_77, %dma_wait3A_87] : memref<40x125xi32, #tpu.memory_space<vmem>> -> memref<1x125xi32, #tpu.memory_space<vmem>>
        %dma_wait3A_89 = tpu.memref_squeeze %dma_wait3A_88 : memref<1x125xi32, #tpu.memory_space<vmem>> -> memref<125xi32, #tpu.memory_space<vmem>>
        %dma_wait3A_90 = arith.constant 0 : i32
        %dma_wait3A_91 = tpu.memref_slice %arg14[%dma_wait3A_90] : memref<10240xf32, #tpu.memory_space<vmem_shared>> -> memref<10240xf32, #tpu.memory_space<vmem_shared>>
        tpu.wait_indirect_dma semaphore(%run_scoped3A : memref<!tpu.dma_semaphore, #tpu.memory_space<semaphore_mem>>) src(%dma_wait3A_86 : memref<125xf32, #tpu.memory_space<vmem>>) dst(%dma_wait3A_91 : memref<10240xf32, #tpu.memory_space<vmem_shared>>)
        tpu.yield
      }) : () -> ()
    }
    %scan3A_23 = arith.constant 20 : i32
    "tpu.region"() ({
      %run_scoped3A = tpu.sem_alloc : memref<!tpu.dma_semaphore, #tpu.memory_space<semaphore_mem>>
      %dma_start3A_42 = arith.constant 40 : i32
      %dma_start3A_43 = arith.constant 0 : i32
      %dma_start3A_44 = tpu.memref_slice %arg3[%add3A, %dma_start3A_42, %dma_start3A_43] : memref<32x80x125xi32, #tpu.memory_space<hbm>> -> memref<1x40x125xi32, #tpu.memory_space<hbm>>
      %dma_start3A_45 = tpu.memref_squeeze %dma_start3A_44 : memref<1x40x125xi32, #tpu.memory_space<hbm>> -> memref<40x125xi32, #tpu.memory_space<hbm>>
      %dma_start3A_46 = arith.constant 40 : i32
      %dma_start3A_47 = arith.constant 0 : i32
      %dma_start3A_48 = tpu.memref_slice %arg3[%add3A, %dma_start3A_46, %dma_start3A_47] : memref<32x80x125xi32, #tpu.memory_space<hbm>> -> memref<1x40x125xi32, #tpu.memory_space<hbm>>
      %dma_start3A_49 = tpu.memref_squeeze %dma_start3A_48 : memref<1x40x125xi32, #tpu.memory_space<hbm>> -> memref<40x125xi32, #tpu.memory_space<hbm>>
      tpu.enqueue_dma source(%dma_start3A_49 : memref<40x125xi32, #tpu.memory_space<hbm>>) target(%arg7 : memref<40x125xi32, #tpu.memory_space<vmem>>) target_semaphore(%run_scoped3A : memref<!tpu.dma_semaphore, #tpu.memory_space<semaphore_mem>>)
      %dma_wait3A = arith.constant 40 : i32
      %dma_wait3A_50 = arith.constant 0 : i32
      %dma_wait3A_51 = tpu.memref_slice %arg3[%add3A, %dma_wait3A, %dma_wait3A_50] : memref<32x80x125xi32, #tpu.memory_space<hbm>> -> memref<1x40x125xi32, #tpu.memory_space<hbm>>
      %dma_wait3A_52 = tpu.memref_squeeze %dma_wait3A_51 : memref<1x40x125xi32, #tpu.memory_space<hbm>> -> memref<40x125xi32, #tpu.memory_space<hbm>>
      %dma_wait3A_53 = arith.constant 40 : i32
      %dma_wait3A_54 = arith.constant 0 : i32
      %dma_wait3A_55 = tpu.memref_slice %arg3[%add3A, %dma_wait3A_53, %dma_wait3A_54] : memref<32x80x125xi32, #tpu.memory_space<hbm>> -> memref<1x40x125xi32, #tpu.memory_space<hbm>>
      %dma_wait3A_56 = tpu.memref_squeeze %dma_wait3A_55 : memref<1x40x125xi32, #tpu.memory_space<hbm>> -> memref<40x125xi32, #tpu.memory_space<hbm>>
      tpu.wait_dma2 semaphore(%run_scoped3A : memref<!tpu.dma_semaphore, #tpu.memory_space<semaphore_mem>>) src(%dma_wait3A_56 : memref<40x125xi32, #tpu.memory_space<hbm>>) dst(%arg7 : memref<40x125xi32, #tpu.memory_space<vmem>>)
      tpu.yield
    }) : () -> ()
    "tpu.region"() ({
      %run_scoped3A = tpu.sem_alloc : memref<!tpu.dma_semaphore, #tpu.memory_space<semaphore_mem>>
      %dma_start3A_42 = arith.constant 40 : i32
      %dma_start3A_43 = arith.constant 0 : i32
      %dma_start3A_44 = tpu.memref_slice %arg4[%add3A, %dma_start3A_42, %dma_start3A_43] : memref<32x80x125xi32, #tpu.memory_space<hbm>> -> memref<1x40x125xi32, #tpu.memory_space<hbm>>
      %dma_start3A_45 = tpu.memref_squeeze %dma_start3A_44 : memref<1x40x125xi32, #tpu.memory_space<hbm>> -> memref<40x125xi32, #tpu.memory_space<hbm>>
      %dma_start3A_46 = arith.constant 40 : i32
      %dma_start3A_47 = arith.constant 0 : i32
      %dma_start3A_48 = tpu.memref_slice %arg4[%add3A, %dma_start3A_46, %dma_start3A_47] : memref<32x80x125xi32, #tpu.memory_space<hbm>> -> memref<1x40x125xi32, #tpu.memory_space<hbm>>
      %dma_start3A_49 = tpu.memref_squeeze %dma_start3A_48 : memref<1x40x125xi32, #tpu.memory_space<hbm>> -> memref<40x125xi32, #tpu.memory_space<hbm>>
      tpu.enqueue_dma source(%dma_start3A_49 : memref<40x125xi32, #tpu.memory_space<hbm>>) target(%arg8 : memref<40x125xi32, #tpu.memory_space<vmem>>) target_semaphore(%run_scoped3A : memref<!tpu.dma_semaphore, #tpu.memory_space<semaphore_mem>>)
      %dma_wait3A = arith.constant 40 : i32
      %dma_wait3A_50 = arith.constant 0 : i32
      %dma_wait3A_51 = tpu.memref_slice %arg4[%add3A, %dma_wait3A, %dma_wait3A_50] : memref<32x80x125xi32, #tpu.memory_space<hbm>> -> memref<1x40x125xi32, #tpu.memory_space<hbm>>
      %dma_wait3A_52 = tpu.memref_squeeze %dma_wait3A_51 : memref<1x40x125xi32, #tpu.memory_space<hbm>> -> memref<40x125xi32, #tpu.memory_space<hbm>>
      %dma_wait3A_53 = arith.constant 40 : i32
      %dma_wait3A_54 = arith.constant 0 : i32
      %dma_wait3A_55 = tpu.memref_slice %arg4[%add3A, %dma_wait3A_53, %dma_wait3A_54] : memref<32x80x125xi32, #tpu.memory_space<hbm>> -> memref<1x40x125xi32, #tpu.memory_space<hbm>>
      %dma_wait3A_56 = tpu.memref_squeeze %dma_wait3A_55 : memref<1x40x125xi32, #tpu.memory_space<hbm>> -> memref<40x125xi32, #tpu.memory_space<hbm>>
      tpu.wait_dma2 semaphore(%run_scoped3A : memref<!tpu.dma_semaphore, #tpu.memory_space<semaphore_mem>>) src(%dma_wait3A_56 : memref<40x125xi32, #tpu.memory_space<hbm>>) dst(%arg8 : memref<40x125xi32, #tpu.memory_space<vmem>>)
      tpu.yield
    }) : () -> ()
    %dma_start3A_24 = arith.constant 0 : i32
    %dma_start3A_25 = arith.constant 0 : i32
    %dma_start3A_26 = tpu.memref_slice %arg7[%dma_start3A_24, %dma_start3A_25] : memref<40x125xi32, #tpu.memory_space<vmem>> -> memref<1x125xi32, #tpu.memory_space<vmem>>
    %dma_start3A_27 = tpu.memref_squeeze %dma_start3A_26 : memref<1x125xi32, #tpu.memory_space<vmem>> -> memref<125xi32, #tpu.memory_space<vmem>>
    %dma_start3A_28 = arith.constant 0 : i32
    %dma_start3A_29 = arith.constant 0 : i32
    %dma_start3A_30 = tpu.memref_slice %arg2[%dma_start3A_28, %dma_start3A_29] : memref<10240x128xf32, #tpu.memory_space<hbm>> -> memref<10240x128xf32, #tpu.memory_space<hbm>>
    tpu.enqueue_indirect_dma source(%dma_start3A_30 : memref<10240x128xf32, #tpu.memory_space<hbm>>) target(%arg9 : memref<125x128xf32, #tpu.memory_space<vmem>>) offsets(%dma_start3A_27 : memref<125xi32, #tpu.memory_space<vmem>>) semaphore(%arg15 : memref<!tpu.dma_semaphore, #tpu.memory_space<semaphore_mem>>)
    %scan3A_31 = arith.constant 0 : i32
    %scan3A_32 = arith.constant 20 : i32
    %scan3A_33 = arith.addi %scan3A_31, %scan3A_32 : i32
    %scan3A_34 = arith.constant 1 : i32
    scf.for %scan3A_42 = %scan3A_31 to %scan3A_33 step %scan3A_34  : i32 {
      %mul3A_43 = arith.constant 2 : i32
      %mul3A_44 = arith.muli %scan3A_42, %mul3A_43 : i32
      %add3A_45 = arith.constant 0 : i32
      %add3A_46 = arith.addi %add3A_45, %mul3A_44 : i32
      %add3A_47 = arith.constant 1 : i32
      %add3A_48 = arith.addi %add3A_46, %add3A_47 : i32
      %dma_start3A_49 = arith.constant 0 : i32
      %dma_start3A_50 = tpu.memref_slice %arg7[%add3A_48, %dma_start3A_49] : memref<40x125xi32, #tpu.memory_space<vmem>> -> memref<1x125xi32, #tpu.memory_space<vmem>>
      %dma_start3A_51 = tpu.memref_squeeze %dma_start3A_50 : memref<1x125xi32, #tpu.memory_space<vmem>> -> memref<125xi32, #tpu.memory_space<vmem>>
      %dma_start3A_52 = arith.constant 0 : i32
      %dma_start3A_53 = arith.constant 0 : i32
      %dma_start3A_54 = tpu.memref_slice %arg2[%dma_start3A_52, %dma_start3A_53] : memref<10240x128xf32, #tpu.memory_space<hbm>> -> memref<10240x128xf32, #tpu.memory_space<hbm>>
      tpu.enqueue_indirect_dma source(%dma_start3A_54 : memref<10240x128xf32, #tpu.memory_space<hbm>>) target(%arg10 : memref<125x128xf32, #tpu.memory_space<vmem>>) offsets(%dma_start3A_51 : memref<125xi32, #tpu.memory_space<vmem>>) semaphore(%arg16 : memref<!tpu.dma_semaphore, #tpu.memory_space<semaphore_mem>>)
      %dma_wait3A = arith.constant 0 : i32
      %dma_wait3A_55 = tpu.memref_slice %arg7[%add3A_46, %dma_wait3A] : memref<40x125xi32, #tpu.memory_space<vmem>> -> memref<1x125xi32, #tpu.memory_space<vmem>>
      %dma_wait3A_56 = tpu.memref_squeeze %dma_wait3A_55 : memref<1x125xi32, #tpu.memory_space<vmem>> -> memref<125xi32, #tpu.memory_space<vmem>>
      %dma_wait3A_57 = arith.constant 0 : i32
      %dma_wait3A_58 = arith.constant 0 : i32
      %dma_wait3A_59 = tpu.memref_slice %arg2[%dma_wait3A_57, %dma_wait3A_58] : memref<10240x128xf32, #tpu.memory_space<hbm>> -> memref<10240x128xf32, #tpu.memory_space<hbm>>
      tpu.wait_indirect_dma semaphore(%arg15 : memref<!tpu.dma_semaphore, #tpu.memory_space<semaphore_mem>>) src(%dma_wait3A_59 : memref<10240x128xf32, #tpu.memory_space<hbm>>) dst(%arg9 : memref<125x128xf32, #tpu.memory_space<vmem>>)
      "tpu.region"() ({
        %run_scoped3A = tpu.sem_alloc : memref<!tpu.dma_semaphore, #tpu.memory_space<semaphore_mem>>
        %dma_start3A_78 = arith.constant 0 : i32
        %dma_start3A_79 = tpu.memref_slice %arg8[%add3A_46, %dma_start3A_78] : memref<40x125xi32, #tpu.memory_space<vmem>> -> memref<1x125xi32, #tpu.memory_space<vmem>>
        %dma_start3A_80 = tpu.memref_squeeze %dma_start3A_79 : memref<1x125xi32, #tpu.memory_space<vmem>> -> memref<125xi32, #tpu.memory_space<vmem>>
        %dma_start3A_81 = arith.constant 0 : i32
        %dma_start3A_82 = arith.constant 0 : i32
        %dma_start3A_83 = tpu.memref_slice %arg13[%dma_start3A_81, %dma_start3A_82] : memref<10240x128xf32, #tpu.memory_space<vmem_shared>> -> memref<10240x128xf32, #tpu.memory_space<vmem_shared>>
        tpu.enqueue_indirect_dma source(%arg9 : memref<125x128xf32, #tpu.memory_space<vmem>>) target(%dma_start3A_83 : memref<10240x128xf32, #tpu.memory_space<vmem_shared>>) offsets(%dma_start3A_80 : memref<125xi32, #tpu.memory_space<vmem>>) semaphore(%run_scoped3A : memref<!tpu.dma_semaphore, #tpu.memory_space<semaphore_mem>>) {add = true}
        %dma_wait3A_84 = arith.constant 0 : i32
        %dma_wait3A_85 = tpu.memref_slice %arg8[%add3A_46, %dma_wait3A_84] : memref<40x125xi32, #tpu.memory_space<vmem>> -> memref<1x125xi32, #tpu.memory_space<vmem>>
        %dma_wait3A_86 = tpu.memref_squeeze %dma_wait3A_85 : memref<1x125xi32, #tpu.memory_space<vmem>> -> memref<125xi32, #tpu.memory_space<vmem>>
        %dma_wait3A_87 = arith.constant 0 : i32
        %dma_wait3A_88 = arith.constant 0 : i32
        %dma_wait3A_89 = tpu.memref_slice %arg13[%dma_wait3A_87, %dma_wait3A_88] : memref<10240x128xf32, #tpu.memory_space<vmem_shared>> -> memref<10240x128xf32, #tpu.memory_space<vmem_shared>>
        tpu.wait_indirect_dma semaphore(%run_scoped3A : memref<!tpu.dma_semaphore, #tpu.memory_space<semaphore_mem>>) src(%arg9 : memref<125x128xf32, #tpu.memory_space<vmem>>) dst(%dma_wait3A_89 : memref<10240x128xf32, #tpu.memory_space<vmem_shared>>)
        tpu.yield
      }) : () -> ()
      "tpu.region"() ({
        %run_scoped3A = tpu.sem_alloc : memref<!tpu.dma_semaphore, #tpu.memory_space<semaphore_mem>>
        %dma_start3A_78 = arith.constant 0 : i32
        %dma_start3A_79 = tpu.memref_slice %arg11[%dma_start3A_78] : memref<128xf32, #tpu.memory_space<vmem>> -> memref<125xf32, #tpu.memory_space<vmem>>
        %dma_start3A_80 = arith.constant 0 : i32
        %dma_start3A_81 = tpu.memref_slice %arg8[%add3A_46, %dma_start3A_80] : memref<40x125xi32, #tpu.memory_space<vmem>> -> memref<1x125xi32, #tpu.memory_space<vmem>>
        %dma_start3A_82 = tpu.memref_squeeze %dma_start3A_81 : memref<1x125xi32, #tpu.memory_space<vmem>> -> memref<125xi32, #tpu.memory_space<vmem>>
        %dma_start3A_83 = arith.constant 0 : i32
        %dma_start3A_84 = tpu.memref_slice %arg14[%dma_start3A_83] : memref<10240xf32, #tpu.memory_space<vmem_shared>> -> memref<10240xf32, #tpu.memory_space<vmem_shared>>
        tpu.enqueue_indirect_dma source(%dma_start3A_79 : memref<125xf32, #tpu.memory_space<vmem>>) target(%dma_start3A_84 : memref<10240xf32, #tpu.memory_space<vmem_shared>>) offsets(%dma_start3A_82 : memref<125xi32, #tpu.memory_space<vmem>>) semaphore(%run_scoped3A : memref<!tpu.dma_semaphore, #tpu.memory_space<semaphore_mem>>) {add = true}
        %dma_wait3A_85 = arith.constant 0 : i32
        %dma_wait3A_86 = tpu.memref_slice %arg11[%dma_wait3A_85] : memref<128xf32, #tpu.memory_space<vmem>> -> memref<125xf32, #tpu.memory_space<vmem>>
        %dma_wait3A_87 = arith.constant 0 : i32
        %dma_wait3A_88 = tpu.memref_slice %arg8[%add3A_46, %dma_wait3A_87] : memref<40x125xi32, #tpu.memory_space<vmem>> -> memref<1x125xi32, #tpu.memory_space<vmem>>
        %dma_wait3A_89 = tpu.memref_squeeze %dma_wait3A_88 : memref<1x125xi32, #tpu.memory_space<vmem>> -> memref<125xi32, #tpu.memory_space<vmem>>
        %dma_wait3A_90 = arith.constant 0 : i32
        %dma_wait3A_91 = tpu.memref_slice %arg14[%dma_wait3A_90] : memref<10240xf32, #tpu.memory_space<vmem_shared>> -> memref<10240xf32, #tpu.memory_space<vmem_shared>>
        tpu.wait_indirect_dma semaphore(%run_scoped3A : memref<!tpu.dma_semaphore, #tpu.memory_space<semaphore_mem>>) src(%dma_wait3A_86 : memref<125xf32, #tpu.memory_space<vmem>>) dst(%dma_wait3A_91 : memref<10240xf32, #tpu.memory_space<vmem_shared>>)
        tpu.yield
      }) : () -> ()
      %add3A_60 = arith.constant 2 : i32
      %add3A_61 = arith.addi %add3A_46, %add3A_60 : i32
      %lt3A = arith.constant 40 : i32
      %lt3A_62 = arith.cmpi slt, %add3A_61, %lt3A : i32
      %convert_element_type3A_63 = arith.extui %lt3A_62 : i1 to i32
      %cond3A_64 = arith.constant 0 : i32
      %cond3A_65 = arith.cmpi ne, %convert_element_type3A_63, %cond3A_64 : i32
      scf.if %cond3A_65 {
        %add3A_78 = arith.constant 2 : i32
        %add3A_79 = arith.addi %add3A_46, %add3A_78 : i32
        %dma_start3A_80 = arith.constant 0 : i32
        %dma_start3A_81 = tpu.memref_slice %arg7[%add3A_79, %dma_start3A_80] : memref<40x125xi32, #tpu.memory_space<vmem>> -> memref<1x125xi32, #tpu.memory_space<vmem>>
        %dma_start3A_82 = tpu.memref_squeeze %dma_start3A_81 : memref<1x125xi32, #tpu.memory_space<vmem>> -> memref<125xi32, #tpu.memory_space<vmem>>
        %dma_start3A_83 = arith.constant 0 : i32
        %dma_start3A_84 = arith.constant 0 : i32
        %dma_start3A_85 = tpu.memref_slice %arg2[%dma_start3A_83, %dma_start3A_84] : memref<10240x128xf32, #tpu.memory_space<hbm>> -> memref<10240x128xf32, #tpu.memory_space<hbm>>
        tpu.enqueue_indirect_dma source(%dma_start3A_85 : memref<10240x128xf32, #tpu.memory_space<hbm>>) target(%arg9 : memref<125x128xf32, #tpu.memory_space<vmem>>) offsets(%dma_start3A_82 : memref<125xi32, #tpu.memory_space<vmem>>) semaphore(%arg15 : memref<!tpu.dma_semaphore, #tpu.memory_space<semaphore_mem>>)
      } else {
      }
      %add3A_66 = arith.constant 1 : i32
      %add3A_67 = arith.addi %add3A_46, %add3A_66 : i32
      %dma_wait3A_68 = arith.constant 0 : i32
      %dma_wait3A_69 = tpu.memref_slice %arg7[%add3A_67, %dma_wait3A_68] : memref<40x125xi32, #tpu.memory_space<vmem>> -> memref<1x125xi32, #tpu.memory_space<vmem>>
      %dma_wait3A_70 = tpu.memref_squeeze %dma_wait3A_69 : memref<1x125xi32, #tpu.memory_space<vmem>> -> memref<125xi32, #tpu.memory_space<vmem>>
      %dma_wait3A_71 = arith.constant 0 : i32
      %dma_wait3A_72 = arith.constant 0 : i32
      %dma_wait3A_73 = tpu.memref_slice %arg2[%dma_wait3A_71, %dma_wait3A_72] : memref<10240x128xf32, #tpu.memory_space<hbm>> -> memref<10240x128xf32, #tpu.memory_space<hbm>>
      tpu.wait_indirect_dma semaphore(%arg16 : memref<!tpu.dma_semaphore, #tpu.memory_space<semaphore_mem>>) src(%dma_wait3A_73 : memref<10240x128xf32, #tpu.memory_space<hbm>>) dst(%arg10 : memref<125x128xf32, #tpu.memory_space<vmem>>)
      %add3A_74 = arith.constant 1 : i32
      %add3A_75 = arith.addi %add3A_46, %add3A_74 : i32
      "tpu.region"() ({
        %run_scoped3A = tpu.sem_alloc : memref<!tpu.dma_semaphore, #tpu.memory_space<semaphore_mem>>
        %dma_start3A_78 = arith.constant 0 : i32
        %dma_start3A_79 = tpu.memref_slice %arg8[%add3A_75, %dma_start3A_78] : memref<40x125xi32, #tpu.memory_space<vmem>> -> memref<1x125xi32, #tpu.memory_space<vmem>>
        %dma_start3A_80 = tpu.memref_squeeze %dma_start3A_79 : memref<1x125xi32, #tpu.memory_space<vmem>> -> memref<125xi32, #tpu.memory_space<vmem>>
        %dma_start3A_81 = arith.constant 0 : i32
        %dma_start3A_82 = arith.constant 0 : i32
        %dma_start3A_83 = tpu.memref_slice %arg13[%dma_start3A_81, %dma_start3A_82] : memref<10240x128xf32, #tpu.memory_space<vmem_shared>> -> memref<10240x128xf32, #tpu.memory_space<vmem_shared>>
        tpu.enqueue_indirect_dma source(%arg10 : memref<125x128xf32, #tpu.memory_space<vmem>>) target(%dma_start3A_83 : memref<10240x128xf32, #tpu.memory_space<vmem_shared>>) offsets(%dma_start3A_80 : memref<125xi32, #tpu.memory_space<vmem>>) semaphore(%run_scoped3A : memref<!tpu.dma_semaphore, #tpu.memory_space<semaphore_mem>>) {add = true}
        %dma_wait3A_84 = arith.constant 0 : i32
        %dma_wait3A_85 = tpu.memref_slice %arg8[%add3A_75, %dma_wait3A_84] : memref<40x125xi32, #tpu.memory_space<vmem>> -> memref<1x125xi32, #tpu.memory_space<vmem>>
        %dma_wait3A_86 = tpu.memref_squeeze %dma_wait3A_85 : memref<1x125xi32, #tpu.memory_space<vmem>> -> memref<125xi32, #tpu.memory_space<vmem>>
        %dma_wait3A_87 = arith.constant 0 : i32
        %dma_wait3A_88 = arith.constant 0 : i32
        %dma_wait3A_89 = tpu.memref_slice %arg13[%dma_wait3A_87, %dma_wait3A_88] : memref<10240x128xf32, #tpu.memory_space<vmem_shared>> -> memref<10240x128xf32, #tpu.memory_space<vmem_shared>>
        tpu.wait_indirect_dma semaphore(%run_scoped3A : memref<!tpu.dma_semaphore, #tpu.memory_space<semaphore_mem>>) src(%arg10 : memref<125x128xf32, #tpu.memory_space<vmem>>) dst(%dma_wait3A_89 : memref<10240x128xf32, #tpu.memory_space<vmem_shared>>)
        tpu.yield
      }) : () -> ()
      %add3A_76 = arith.constant 1 : i32
      %add3A_77 = arith.addi %add3A_46, %add3A_76 : i32
      "tpu.region"() ({
        %run_scoped3A = tpu.sem_alloc : memref<!tpu.dma_semaphore, #tpu.memory_space<semaphore_mem>>
        %dma_start3A_78 = arith.constant 0 : i32
        %dma_start3A_79 = tpu.memref_slice %arg11[%dma_start3A_78] : memref<128xf32, #tpu.memory_space<vmem>> -> memref<125xf32, #tpu.memory_space<vmem>>
        %dma_start3A_80 = arith.constant 0 : i32
        %dma_start3A_81 = tpu.memref_slice %arg8[%add3A_77, %dma_start3A_80] : memref<40x125xi32, #tpu.memory_space<vmem>> -> memref<1x125xi32, #tpu.memory_space<vmem>>
        %dma_start3A_82 = tpu.memref_squeeze %dma_start3A_81 : memref<1x125xi32, #tpu.memory_space<vmem>> -> memref<125xi32, #tpu.memory_space<vmem>>
        %dma_start3A_83 = arith.constant 0 : i32
        %dma_start3A_84 = tpu.memref_slice %arg14[%dma_start3A_83] : memref<10240xf32, #tpu.memory_space<vmem_shared>> -> memref<10240xf32, #tpu.memory_space<vmem_shared>>
        tpu.enqueue_indirect_dma source(%dma_start3A_79 : memref<125xf32, #tpu.memory_space<vmem>>) target(%dma_start3A_84 : memref<10240xf32, #tpu.memory_space<vmem_shared>>) offsets(%dma_start3A_82 : memref<125xi32, #tpu.memory_space<vmem>>) semaphore(%run_scoped3A : memref<!tpu.dma_semaphore, #tpu.memory_space<semaphore_mem>>) {add = true}
        %dma_wait3A_85 = arith.constant 0 : i32
        %dma_wait3A_86 = tpu.memref_slice %arg11[%dma_wait3A_85] : memref<128xf32, #tpu.memory_space<vmem>> -> memref<125xf32, #tpu.memory_space<vmem>>
        %dma_wait3A_87 = arith.constant 0 : i32
        %dma_wait3A_88 = tpu.memref_slice %arg8[%add3A_77, %dma_wait3A_87] : memref<40x125xi32, #tpu.memory_space<vmem>> -> memref<1x125xi32, #tpu.memory_space<vmem>>
        %dma_wait3A_89 = tpu.memref_squeeze %dma_wait3A_88 : memref<1x125xi32, #tpu.memory_space<vmem>> -> memref<125xi32, #tpu.memory_space<vmem>>
        %dma_wait3A_90 = arith.constant 0 : i32
        %dma_wait3A_91 = tpu.memref_slice %arg14[%dma_wait3A_90] : memref<10240xf32, #tpu.memory_space<vmem_shared>> -> memref<10240xf32, #tpu.memory_space<vmem_shared>>
        tpu.wait_indirect_dma semaphore(%run_scoped3A : memref<!tpu.dma_semaphore, #tpu.memory_space<semaphore_mem>>) src(%dma_wait3A_86 : memref<125xf32, #tpu.memory_space<vmem>>) dst(%dma_wait3A_91 : memref<10240xf32, #tpu.memory_space<vmem_shared>>)
        tpu.yield
      }) : () -> ()
    }
    %scan3A_35 = arith.constant 20 : i32
    %barrier3A_36 = arith.constant 0 : index
    tpu.barrier barrier_id(%barrier3A_36)
    "tpu.region"() ({
      %run_scoped3A = tpu.sem_alloc : memref<!tpu.dma_semaphore, #tpu.memory_space<semaphore_mem>>
      %dma_start3A_42 = arith.constant 0 : i32
      %dma_start3A_43 = tpu.memref_slice %arg5[%arg0, %mul3A_2, %dma_start3A_42] : memref<2x10240x128xf32, #tpu.memory_space<hbm>> -> memref<1x640x128xf32, #tpu.memory_space<hbm>>
      %dma_start3A_44 = tpu.memref_squeeze %dma_start3A_43 : memref<1x640x128xf32, #tpu.memory_space<hbm>> -> memref<640x128xf32, #tpu.memory_space<hbm>>
      %dma_start3A_45 = arith.constant 0 : i32
      %dma_start3A_46 = tpu.memref_slice %arg13[%mul3A_2, %dma_start3A_45] : memref<10240x128xf32, #tpu.memory_space<vmem_shared>> -> memref<640x128xf32, #tpu.memory_space<vmem_shared>>
      tpu.enqueue_dma source(%dma_start3A_46 : memref<640x128xf32, #tpu.memory_space<vmem_shared>>) target(%dma_start3A_44 : memref<640x128xf32, #tpu.memory_space<hbm>>) target_semaphore(%run_scoped3A : memref<!tpu.dma_semaphore, #tpu.memory_space<semaphore_mem>>)
      %dma_wait3A = arith.constant 0 : i32
      %dma_wait3A_47 = tpu.memref_slice %arg5[%arg0, %mul3A_2, %dma_wait3A] : memref<2x10240x128xf32, #tpu.memory_space<hbm>> -> memref<1x640x128xf32, #tpu.memory_space<hbm>>
      %dma_wait3A_48 = tpu.memref_squeeze %dma_wait3A_47 : memref<1x640x128xf32, #tpu.memory_space<hbm>> -> memref<640x128xf32, #tpu.memory_space<hbm>>
      %dma_wait3A_49 = arith.constant 0 : i32
      %dma_wait3A_50 = tpu.memref_slice %arg13[%mul3A_2, %dma_wait3A_49] : memref<10240x128xf32, #tpu.memory_space<vmem_shared>> -> memref<640x128xf32, #tpu.memory_space<vmem_shared>>
      tpu.wait_dma2 semaphore(%run_scoped3A : memref<!tpu.dma_semaphore, #tpu.memory_space<semaphore_mem>>) src(%dma_wait3A_50 : memref<640x128xf32, #tpu.memory_space<vmem_shared>>) dst(%dma_wait3A_48 : memref<640x128xf32, #tpu.memory_space<hbm>>)
      tpu.yield
    }) : () -> ()
    %eq3A_37 = arith.constant 0 : i32
    %eq3A_38 = arith.cmpi eq, %arg1, %eq3A_37 : i32
    %convert_element_type3A_39 = arith.extui %eq3A_38 : i1 to i32
    %cond3A_40 = arith.constant 0 : i32
    %cond3A_41 = arith.cmpi ne, %convert_element_type3A_39, %cond3A_40 : i32
    scf.if %cond3A_41 {
      %scan3A_42 = arith.constant 0 : i32
      %scan3A_43 = arith.constant 8 : i32
      %scan3A_44 = arith.addi %scan3A_42, %scan3A_43 : i32
      %scan3A_45 = arith.constant 1 : i32
      scf.for %scan3A_47 = %scan3A_42 to %scan3A_44 step %scan3A_45  : i32 {
        %mul3A_48 = arith.constant 1 : i32
        %mul3A_49 = arith.muli %scan3A_47, %mul3A_48 : i32
        %add3A_50 = arith.constant 0 : i32
        %add3A_51 = arith.addi %add3A_50, %mul3A_49 : i32
        %mul3A_52 = arith.constant 1280 : i32
        %mul3A_53 = arith.muli %add3A_51, %mul3A_52 : i32
        "tpu.region"() ({
          %run_scoped3A = tpu.sem_alloc : memref<!tpu.dma_semaphore, #tpu.memory_space<semaphore_mem>>
          %dma_start3A_54 = arith.constant 0 : i32
          %dma_start3A_55 = tpu.memref_slice %arg6[%add3A_51, %arg0, %dma_start3A_54] : memref<8x2x1280xf32, #tpu.memory_space<hbm>> -> memref<1x1x1280xf32, #tpu.memory_space<hbm>>
          %dma_start3A_56 = tpu.memref_squeeze %dma_start3A_55 : memref<1x1x1280xf32, #tpu.memory_space<hbm>> -> memref<1280xf32, #tpu.memory_space<hbm>>
          %dma_start3A_57 = tpu.memref_slice %arg14[%mul3A_53] : memref<10240xf32, #tpu.memory_space<vmem_shared>> -> memref<1280xf32, #tpu.memory_space<vmem_shared>>
          tpu.enqueue_dma source(%dma_start3A_57 : memref<1280xf32, #tpu.memory_space<vmem_shared>>) target(%dma_start3A_56 : memref<1280xf32, #tpu.memory_space<hbm>>) target_semaphore(%run_scoped3A : memref<!tpu.dma_semaphore, #tpu.memory_space<semaphore_mem>>)
          %dma_wait3A = arith.constant 0 : i32
          %dma_wait3A_58 = tpu.memref_slice %arg6[%add3A_51, %arg0, %dma_wait3A] : memref<8x2x1280xf32, #tpu.memory_space<hbm>> -> memref<1x1x1280xf32, #tpu.memory_space<hbm>>
          %dma_wait3A_59 = tpu.memref_squeeze %dma_wait3A_58 : memref<1x1x1280xf32, #tpu.memory_space<hbm>> -> memref<1280xf32, #tpu.memory_space<hbm>>
          %dma_wait3A_60 = tpu.memref_slice %arg14[%mul3A_53] : memref<10240xf32, #tpu.memory_space<vmem_shared>> -> memref<1280xf32, #tpu.memory_space<vmem_shared>>
          tpu.wait_dma2 semaphore(%run_scoped3A : memref<!tpu.dma_semaphore, #tpu.memory_space<semaphore_mem>>) src(%dma_wait3A_60 : memref<1280xf32, #tpu.memory_space<vmem_shared>>) dst(%dma_wait3A_59 : memref<1280xf32, #tpu.memory_space<hbm>>)
          tpu.yield
        }) : () -> ()
      }
      %scan3A_46 = arith.constant 8 : i32
    } else {
    }
    return
  }
}

module attributes {stable_mosaic.version = 14 : i64} {
  func.func @_tc1_body(%arg0: i32, %arg1: memref<2x1280x128xf32, #tpu.memory_space<vmem>>, %arg2: memref<1x2x1280xf32, #tpu.memory_space<vmem>>, %arg3: memref<128x128xf32, #tpu.memory_space<vmem>>, %arg4: memref<1x128xf32, #tpu.memory_space<vmem>>, %arg5: memref<1280x128xf32, #tpu.memory_space<vmem>>) attributes {dimension_semantics = [#tpu.dimension_semantics<arbitrary>], iteration_bounds = array<i64: 8>, scalar_prefetch = 0 : i64, scratch_operands = 0 : i64, tpu.core_type = #tpu.core_type<tc>, window_params = [{transform_indices = @transform_0, window_bounds = array<i64: 2, 1280, 128>}, {transform_indices = @transform_1, window_bounds = array<i64: 1, 2, 1280>}, {pipeline_mode = #tpu.pipeline_mode<synchronous>, transform_indices = @transform_2, window_bounds = array<i64: 128, 128>}, {pipeline_mode = #tpu.pipeline_mode<synchronous>, transform_indices = @transform_3, window_bounds = array<i64: 1, 128>}, {transform_indices = @transform_4, window_bounds = array<i64: 1280, 128>}]} {
    %get3A = arith.constant 0 : index
    %get3A_0 = arith.constant 0 : index
    %get3A_1 = arith.constant 0 : index
    %get3A_2 = vector.load %arg1[%get3A, %get3A_0, %get3A_1] : memref<2x1280x128xf32, #tpu.memory_space<vmem>>, vector<1x1280x128xf32>
    %get3A_3 = vector.shape_cast %get3A_2 : vector<1x1280x128xf32> to vector<1280x128xf32>
    %get3A_4 = arith.constant 1 : index
    %get3A_5 = arith.constant 0 : index
    %get3A_6 = arith.constant 0 : index
    %get3A_7 = vector.load %arg1[%get3A_4, %get3A_5, %get3A_6] : memref<2x1280x128xf32, #tpu.memory_space<vmem>>, vector<1x1280x128xf32>
    %get3A_8 = vector.shape_cast %get3A_7 : vector<1x1280x128xf32> to vector<1280x128xf32>
    %add3A = arith.addf %get3A_3, %get3A_8 : vector<1280x128xf32>
    %get3A_9 = arith.constant 0 : index
    %get3A_10 = arith.constant 0 : index
    %get3A_11 = arith.constant 0 : index
    %get3A_12 = vector.load %arg2[%get3A_9, %get3A_10, %get3A_11] : memref<1x2x1280xf32, #tpu.memory_space<vmem>>, vector<1x1x1280xf32>
    %get3A_13 = vector.shape_cast %get3A_12 : vector<1x1x1280xf32> to vector<1280xf32>
    %get3A_14 = arith.constant 0 : index
    %get3A_15 = arith.constant 1 : index
    %get3A_16 = arith.constant 0 : index
    %get3A_17 = vector.load %arg2[%get3A_14, %get3A_15, %get3A_16] : memref<1x2x1280xf32, #tpu.memory_space<vmem>>, vector<1x1x1280xf32>
    %get3A_18 = vector.shape_cast %get3A_17 : vector<1x1x1280xf32> to vector<1280xf32>
    %add3A_19 = arith.addf %get3A_13, %get3A_18 : vector<1280xf32>
    %broadcast_in_dim3A = vector.shape_cast %add3A_19 : vector<1280xf32> to vector<1280x1xf32>
    %div3A = vector.broadcast %broadcast_in_dim3A : vector<1280x1xf32> to vector<1280x128xf32>
    %div3A_20 = arith.divf %add3A, %div3A : vector<1280x128xf32>
    %get3A_21 = arith.constant 0 : index
    %get3A_22 = arith.constant 0 : index
    %get3A_23 = vector.load %arg3[%get3A_21, %get3A_22] : memref<128x128xf32, #tpu.memory_space<vmem>>, vector<128x128xf32>
    %dot_general3A = arith.constant dense<0.000000e+00> : vector<1280x128xf32>
    %dot_general3A_24 = tpu.matmul %div3A_20, %get3A_23, %dot_general3A {dimension_numbers = #tpu.dot_dimension_numbers<[1], [0], [0], [1], [0, 0, 1, 1], [], []>, transpose_lhs_hint = false} : vector<1280x128xf32>, vector<128x128xf32>, vector<1280x128xf32> -> vector<1280x128xf32>
    %get3A_25 = arith.constant 0 : index
    %get3A_26 = arith.constant 0 : index
    %get3A_27 = vector.load %arg4[%get3A_25, %get3A_26] : memref<1x128xf32, #tpu.memory_space<vmem>>, vector<1x128xf32>
    %add3A_28 = vector.broadcast %get3A_27 : vector<1x128xf32> to vector<1280x128xf32>
    %add3A_29 = arith.addf %dot_general3A_24, %add3A_28 : vector<1280x128xf32>
    %mul3A = arith.mulf %add3A_29, %add3A_29 : vector<1280x128xf32>
    %reduce_sum3A = arith.constant dense<0.000000e+00> : vector<1280xf32>
    %reduce_sum3A_30 = vector.multi_reduction <add>, %mul3A, %reduce_sum3A [1] : vector<1280x128xf32> to vector<1280xf32>
    %broadcast_in_dim3A_31 = vector.shape_cast %reduce_sum3A_30 : vector<1280xf32> to vector<1280x1xf32>
    %sqrt3A = math.sqrt %broadcast_in_dim3A_31 : vector<1280x1xf32>
    %max3A = arith.constant 9.99999996E-13 : f32
    %max3A_32 = vector.broadcast %max3A : f32 to vector<1280x1xf32>
    %max3A_33 = arith.maximumf %sqrt3A, %max3A_32 : vector<1280x1xf32>
    %div3A_34 = vector.broadcast %max3A_33 : vector<1280x1xf32> to vector<1280x128xf32>
    %div3A_35 = arith.divf %add3A_29, %div3A_34 : vector<1280x128xf32>
    %max3A_36 = arith.constant 0.000000e+00 : f32
    %max3A_37 = vector.broadcast %max3A_36 : f32 to vector<1280x128xf32>
    %max3A_38 = arith.maximumf %div3A_35, %max3A_37 : vector<1280x128xf32>
    %swap3A = arith.constant 0 : index
    %swap3A_39 = arith.constant 0 : index
    %swap3A_40 = vector.load %arg5[%swap3A, %swap3A_39] : memref<1280x128xf32, #tpu.memory_space<vmem>>, vector<1280x128xf32>
    tpu.vector_store %arg5[%swap3A, %swap3A_39], %max3A_38 {strides = array<i32>} : memref<1280x128xf32, #tpu.memory_space<vmem>>, vector<1280x128xf32>,
    return
  }
  func.func @transform_0(%arg0: i32) -> (i32, i32, i32) {
    %c0_i32 = arith.constant 0 : i32
    %c0_i32_0 = arith.constant 0 : i32
    %c0_i32_1 = arith.constant 0 : i32
    return %c0_i32, %arg0, %c0_i32_0 : i32, i32, i32
  }
  func.func @transform_1(%arg0: i32) -> (i32, i32, i32) {
    %c0_i32 = arith.constant 0 : i32
    %c0_i32_0 = arith.constant 0 : i32
    %c0_i32_1 = arith.constant 0 : i32
    return %arg0, %c0_i32, %c0_i32_0 : i32, i32, i32
  }
  func.func @transform_2(%arg0: i32) -> (i32, i32) {
    %c0_i32 = arith.constant 0 : i32
    %c0_i32_0 = arith.constant 0 : i32
    %c0_i32_1 = arith.constant 0 : i32
    return %c0_i32, %c0_i32_0 : i32, i32
  }
  func.func @transform_3(%arg0: i32) -> (i32, i32) {
    %c0_i32 = arith.constant 0 : i32
    %c0_i32_0 = arith.constant 0 : i32
    %c0_i32_1 = arith.constant 0 : i32
    return %c0_i32, %c0_i32_0 : i32, i32
  }
  func.func @transform_4(%arg0: i32) -> (i32, i32) {
    %c0_i32 = arith.constant 0 : i32
    %c0_i32_0 = arith.constant 0 : i32
    return %arg0, %c0_i32 : i32, i32
  }
}

module attributes {stable_mosaic.version = 14 : i64} {
  func.func @_tc2_body(%arg0: i32, %arg1: memref<2x1280x128xf32, #tpu.memory_space<vmem>>, %arg2: memref<1x2x1280xf32, #tpu.memory_space<vmem>>, %arg3: memref<128x64xf32, #tpu.memory_space<vmem>>, %arg4: memref<1x64xf32, #tpu.memory_space<vmem>>, %arg5: memref<1280x64xf32, #tpu.memory_space<vmem>>) attributes {dimension_semantics = [#tpu.dimension_semantics<arbitrary>], iteration_bounds = array<i64: 8>, scalar_prefetch = 0 : i64, scratch_operands = 0 : i64, tpu.core_type = #tpu.core_type<tc>, window_params = [{transform_indices = @transform_0, window_bounds = array<i64: 2, 1280, 128>}, {transform_indices = @transform_1, window_bounds = array<i64: 1, 2, 1280>}, {pipeline_mode = #tpu.pipeline_mode<synchronous>, transform_indices = @transform_2, window_bounds = array<i64: 128, 64>}, {pipeline_mode = #tpu.pipeline_mode<synchronous>, transform_indices = @transform_3, window_bounds = array<i64: 1, 64>}, {transform_indices = @transform_4, window_bounds = array<i64: 1280, 64>}]} {
    %get3A = arith.constant 0 : index
    %get3A_0 = arith.constant 0 : index
    %get3A_1 = arith.constant 0 : index
    %get3A_2 = vector.load %arg1[%get3A, %get3A_0, %get3A_1] : memref<2x1280x128xf32, #tpu.memory_space<vmem>>, vector<1x1280x128xf32>
    %get3A_3 = vector.shape_cast %get3A_2 : vector<1x1280x128xf32> to vector<1280x128xf32>
    %get3A_4 = arith.constant 1 : index
    %get3A_5 = arith.constant 0 : index
    %get3A_6 = arith.constant 0 : index
    %get3A_7 = vector.load %arg1[%get3A_4, %get3A_5, %get3A_6] : memref<2x1280x128xf32, #tpu.memory_space<vmem>>, vector<1x1280x128xf32>
    %get3A_8 = vector.shape_cast %get3A_7 : vector<1x1280x128xf32> to vector<1280x128xf32>
    %add3A = arith.addf %get3A_3, %get3A_8 : vector<1280x128xf32>
    %get3A_9 = arith.constant 0 : index
    %get3A_10 = arith.constant 0 : index
    %get3A_11 = arith.constant 0 : index
    %get3A_12 = vector.load %arg2[%get3A_9, %get3A_10, %get3A_11] : memref<1x2x1280xf32, #tpu.memory_space<vmem>>, vector<1x1x1280xf32>
    %get3A_13 = vector.shape_cast %get3A_12 : vector<1x1x1280xf32> to vector<1280xf32>
    %get3A_14 = arith.constant 0 : index
    %get3A_15 = arith.constant 1 : index
    %get3A_16 = arith.constant 0 : index
    %get3A_17 = vector.load %arg2[%get3A_14, %get3A_15, %get3A_16] : memref<1x2x1280xf32, #tpu.memory_space<vmem>>, vector<1x1x1280xf32>
    %get3A_18 = vector.shape_cast %get3A_17 : vector<1x1x1280xf32> to vector<1280xf32>
    %add3A_19 = arith.addf %get3A_13, %get3A_18 : vector<1280xf32>
    %broadcast_in_dim3A = vector.shape_cast %add3A_19 : vector<1280xf32> to vector<1280x1xf32>
    %div3A = vector.broadcast %broadcast_in_dim3A : vector<1280x1xf32> to vector<1280x128xf32>
    %div3A_20 = arith.divf %add3A, %div3A : vector<1280x128xf32>
    %get3A_21 = arith.constant 0 : index
    %get3A_22 = arith.constant 0 : index
    %get3A_23 = vector.load %arg3[%get3A_21, %get3A_22] : memref<128x64xf32, #tpu.memory_space<vmem>>, vector<128x64xf32>
    %dot_general3A = arith.constant dense<0.000000e+00> : vector<1280x64xf32>
    %dot_general3A_24 = tpu.matmul %div3A_20, %get3A_23, %dot_general3A {dimension_numbers = #tpu.dot_dimension_numbers<[1], [0], [0], [1], [0, 0, 1, 1], [], []>, transpose_lhs_hint = false} : vector<1280x128xf32>, vector<128x64xf32>, vector<1280x64xf32> -> vector<1280x64xf32>
    %get3A_25 = arith.constant 0 : index
    %get3A_26 = arith.constant 0 : index
    %get3A_27 = vector.load %arg4[%get3A_25, %get3A_26] : memref<1x64xf32, #tpu.memory_space<vmem>>, vector<1x64xf32>
    %add3A_28 = vector.broadcast %get3A_27 : vector<1x64xf32> to vector<1280x64xf32>
    %add3A_29 = arith.addf %dot_general3A_24, %add3A_28 : vector<1280x64xf32>
    %reduce_max3A = arith.constant dense<0xFF800000> : vector<1280xf32>
    %reduce_max3A_30 = vector.multi_reduction <maximumf>, %add3A_29, %reduce_max3A [1] : vector<1280x64xf32> to vector<1280xf32>
    %broadcast_in_dim3A_31 = vector.shape_cast %reduce_max3A_30 : vector<1280xf32> to vector<1280x1xf32>
    %sub3A = vector.broadcast %broadcast_in_dim3A_31 : vector<1280x1xf32> to vector<1280x64xf32>
    %sub3A_32 = arith.subf %add3A_29, %sub3A : vector<1280x64xf32>
    %exp3A = math.exp %sub3A_32 : vector<1280x64xf32>
    %reduce_sum3A = arith.constant dense<0.000000e+00> : vector<1280xf32>
    %reduce_sum3A_33 = vector.multi_reduction <add>, %exp3A, %reduce_sum3A [1] : vector<1280x64xf32> to vector<1280xf32>
    %broadcast_in_dim3A_34 = vector.shape_cast %reduce_sum3A_33 : vector<1280xf32> to vector<1280x1xf32>
    %log3A = math.log %broadcast_in_dim3A_34 : vector<1280x1xf32>
    %sub3A_35 = vector.broadcast %log3A : vector<1280x1xf32> to vector<1280x64xf32>
    %sub3A_36 = arith.subf %sub3A_32, %sub3A_35 : vector<1280x64xf32>
    %swap3A = arith.constant 0 : index
    %swap3A_37 = arith.constant 0 : index
    %swap3A_38 = vector.load %arg5[%swap3A, %swap3A_37] : memref<1280x64xf32, #tpu.memory_space<vmem>>, vector<1280x64xf32>
    tpu.vector_store %arg5[%swap3A, %swap3A_37], %sub3A_36 {strides = array<i32>} : memref<1280x64xf32, #tpu.memory_space<vmem>>, vector<1280x64xf32>,
    return
  }
  func.func @transform_0(%arg0: i32) -> (i32, i32, i32) {
    %c0_i32 = arith.constant 0 : i32
    %c0_i32_0 = arith.constant 0 : i32
    %c0_i32_1 = arith.constant 0 : i32
    return %c0_i32, %arg0, %c0_i32_0 : i32, i32, i32
  }
  func.func @transform_1(%arg0: i32) -> (i32, i32, i32) {
    %c0_i32 = arith.constant 0 : i32
    %c0_i32_0 = arith.constant 0 : i32
    %c0_i32_1 = arith.constant 0 : i32
    return %arg0, %c0_i32, %c0_i32_0 : i32, i32, i32
  }
  func.func @transform_2(%arg0: i32) -> (i32, i32) {
    %c0_i32 = arith.constant 0 : i32
    %c0_i32_0 = arith.constant 0 : i32
    %c0_i32_1 = arith.constant 0 : i32
    return %c0_i32, %c0_i32_0 : i32, i32
  }
  func.func @transform_3(%arg0: i32) -> (i32, i32) {
    %c0_i32 = arith.constant 0 : i32
    %c0_i32_0 = arith.constant 0 : i32
    %c0_i32_1 = arith.constant 0 : i32
    return %c0_i32, %c0_i32_0 : i32, i32
  }
  func.func @transform_4(%arg0: i32) -> (i32, i32) {
    %c0_i32 = arith.constant 0 : i32
    %c0_i32_0 = arith.constant 0 : i32
    return %arg0, %c0_i32 : i32, i32
  }
}

</mosaic_0001>

<sc_bundles>
// kernel: kernel.6.cloned.1.call-start
scs
__scs_entry_jumppad:
0x0: {  	(pc) =	sbr.rel $0x88, $3  }
0x1: {  	(tag) =	ssettag $0x0;
	lr =	simm.s32 $0x1  }
0x2: {  	[smem:$0x3F9B] =	sst lr;
	_ =	strace $0xD0000000  }
0x3: {  	_ = 	snop  }
0x4: {  	_ = 	snop  }
0x5: {  	_ = 	snop  }
0x6: {  	_ = 	snop  }
0x7: {  	_ = 	snop  }
__scs_overlays_trampoline_lowered:
0x8: {  	[smem:$0x3FAA] =	sst s0  }
0x9: {  	[smem:$0x3FAB] =	sst s1  }
0xa: {  	[smem:$0x3FAC] =	sst s2  }
0xb: {  	[smem:$0x3FAD] =	sst s3  }
0xc: {  	[smem:$0x3FAE] =	sst s4  }
0xd: {  	[smem:$0x3FAF] =	sst s5  }
0xe: {  	[smem:$0x3FB0] =	sst s6  }
0xf: {  	[smem:$0x3FB1] =	sst s7  }
0x10: {  	[smem:$0x3FB2] =	sst s8  }
0x11: {  	[smem:$0x3FB3] =	sst s9;
	s0 =	simm.s32 @!p0 $0x0  }
0x12: {  	s1 =	sld [smem:$0x3F99];
	s0 =	simm.s32 @p0 $0x1  }
0x13: {  	[smem:$0x3FB4] =	sst s0;
	s0 =	simm.s32 @!p1 $0x0  }
0x14: {  	s2 =	sld [smem:$0x3F98];
	s0 =	simm.s32 @p1 $0x1  }
0x15: {  	[smem:$0x3FB5] =	sst s0;
	s0 =	simm.s32 @!p2 $0x0  }
0x16: {  	s3 =	sld [smem:$0x3FDB];
	s0 =	simm.s32 @p2 $0x1  }
0x17: {  	s4 =	simm.s32 $0x1BF5;
	[smem:$0x3FB7] =	sst s0  }
0x18: {  	s0 =	sld [smem:$0x3F9A];
	_ =	swait.ge [sflag:s4], $0x0  }
0x19: {  	s7 =	sld [smem:$0x3F9B]  }
0x1a: {  	s8 =	sadd.s32 $0xFFFFE003, lr  }
0x1b: {  	s9 =	sadd.s32 $0xFFFFFEF7, lr;
	s5 =	simm.s32 $0xFFFFFFFF;
	p2 =	slt.u32 s8, $0xFFFFF086  }
0x1c: {  	p1 =	slt.u32 s9, $0xF7A;
	s5 =	simm.s32 @!p2 $0x0  }
0x1d: {  	s5 =	simm.s32 @p1 $0x1;
	p0 =	seq.s32 s7, s2  }
0x1e: {  	s7 =	smul.u32 @!p0 $0xF7A, s2;
	p2 =	seq.s32 @!p0 s5, $0x0  }
0x1f: {  	s9 =	smul.u32 $0xF7A, s1;
	s8 =	simm.s32 @!p0 $0x1BF5;
	p2 =	por !p2, p0  }
0x20: {  	[sflag:s8] =	ssyncset.s32 @!p0 $0xFFFFF086;
	s6 =	sadd.s32 @!p0 s3, s7;
	s7 =	simm.s32 @!p0 $0x108  }
0x21: {  	s3 =	sadd.s32 s3, s9;
	s6 =	sadd.s32 @!p0 $0x88, s6;
	s7 =	simm.s32 @p2 $0x1082  }
0x22: {  	[simem:s7], [sflag:s8] =	dma.local @!p0 [hbm:s6], $0xF7A  }
0x23: {  	s9 =	sor.u32 $0xD0000000, s2;
	s6 =	simm.s32 $0x108;
	_ =	swait.ge @!p0 [sflag:s8], $0x0  }
0x24: {  	s3 =	sadd.s32 $0x88, s3;
	s6 =	simm.s32 @!p1 $0x1082;
	[sflag:s4] =	ssyncset.s32 $0xFFFFF086  }
0x25: {  	[simem:s6], [sflag:s4] =	dma.local [hbm:s3], $0xF7A  }
0x26: {  	[smem:$0x3F9B] =	sst s1;
	(tag) =	ssettag s2;
	_ =	strace s9  }
0x27: {  	s1 =	sld [smem:$0x3FAB]  }
0x28: {  	s2 =	sld [smem:$0x3FAC]  }
0x29: {  	s4 =	sld [smem:$0x3FAE]  }
0x2a: {  	p0 =	seq.s32 s5, $0x0;
	s5 =	sld [smem:$0x3FAF]  }
0x2b: {  	s6 =	sld [smem:$0x3FB0]  }
0x2c: {  	s7 =	sld [smem:$0x3FB1]  }
0x2d: {  	s3 =	simm.s32 $0x108;
	s8 =	sld [smem:$0x3FB2]  }
0x2e: {  	s3 =	simm.s32 @!p0 $0x1082;
	s9 =	sld [smem:$0x3FB3]  }
0x2f: {  	lr =	sadd.s32 s0, s3;
	s0 =	sld [smem:$0x3FAA]  }
0x30: {  	s3 =	sld [smem:$0x3FAD]  }
0x31: {  	[smem:$0x3FB6] =	sst s10  }
0x32: {  	s10 =	sld [smem:$0x3FB4];
	_ =	sdelay $0x3  }
0x33: {  	p0 =	seq.s32 s10, $0x1;
	s10 =	sld [smem:$0x3FB6];
	_ =	sdelay $0x3  }
0x34: {  	[smem:$0x3FB6] =	sst s10  }
0x35: {  	s10 =	sld [smem:$0x3FB5];
	_ =	sdelay $0x3  }
0x36: {  	p1 =	seq.s32 s10, $0x1;
	s10 =	sld [smem:$0x3FB6];
	_ =	sdelay $0x3  }
0x37: {  	[smem:$0x3FB6] =	sst s10  }
0x38: {  	s10 =	sld [smem:$0x3FB7]  }
0x39: {  	_ = 	snop;
	(pc) =	sbr.ind lr, $3  }
0x3a: {  	_ = 	snop  }
0x3b: {  	_ = 	snop  }
0x3c: {  	p2 =	seq.s32 s10, $0x1;
	s10 =	sld [smem:$0x3FB6]  }
0x3d: {  	_ =	shalt  }
0x3e: {  	_ =	shalt  }
0x3f: {  	_ =	shalt  }
0x40: {  	_ =	shalt  }
0x41: {  	_ =	shalt  }
0x42: {  	_ =	shalt  }
0x43: {  	_ =	shalt  }
0x44: {  	_ =	shalt  }
0x45: {  	_ =	shalt  }
0x46: {  	_ =	shalt  }
0x47: {  	_ =	shalt  }
0x48: {  	_ =	shalt  }
0x49: {  	_ =	shalt  }
0x4a: {  	_ =	shalt  }
0x4b: {  	_ =	shalt  }
0x4c: {  	_ =	shalt  }
0x4d: {  	_ =	shalt  }
0x4e: {  	_ =	shalt  }
0x4f: {  	_ =	shalt  }
0x50: {  	_ =	shalt  }
0x51: {  	_ =	shalt  }
0x52: {  	_ =	shalt  }
0x53: {  	_ =	shalt  }
0x54: {  	_ =	shalt  }
0x55: {  	_ =	shalt  }
0x56: {  	_ =	shalt  }
0x57: {  	_ =	shalt  }
0x58: {  	_ =	shalt  }
0x59: {  	_ =	shalt  }
0x5a: {  	_ =	shalt  }
0x5b: {  	_ =	shalt  }
0x5c: {  	_ =	shalt  }
0x5d: {  	_ =	shalt  }
0x5e: {  	_ =	shalt  }
0x5f: {  	_ =	shalt  }
0x60: {  	_ =	shalt  }
0x61: {  	_ =	shalt  }
0x62: {  	_ =	shalt  }
0x63: {  	_ =	shalt  }
0x64: {  	_ =	shalt  }
0x65: {  	_ =	shalt  }
0x66: {  	_ =	shalt  }
0x67: {  	_ =	shalt  }
0x68: {  	_ =	shalt  }
0x69: {  	_ =	shalt  }
0x6a: {  	_ =	shalt  }
0x6b: {  	_ =	shalt  }
0x6c: {  	_ =	shalt  }
0x6d: {  	_ =	shalt  }
0x6e: {  	_ =	shalt  }
0x6f: {  	_ =	shalt  }
0x70: {  	_ =	shalt  }
0x71: {  	_ =	shalt  }
0x72: {  	_ =	shalt  }
0x73: {  	_ =	shalt  }
0x74: {  	_ =	shalt  }
0x75: {  	_ =	shalt  }
0x76: {  	_ =	shalt  }
0x77: {  	_ =	shalt  }
0x78: {  	_ =	shalt  }
0x79: {  	_ =	shalt  }
0x7a: {  	_ =	shalt  }
0x7b: {  	_ =	shalt  }
0x7c: {  	_ =	shalt  }
0x7d: {  	_ =	shalt  }
0x7e: {  	_ =	shalt  }
0x7f: {  	_ =	shalt  }
0x80: {  	_ =	shalt  }
0x81: {  	_ =	shalt  }
0x82: {  	_ =	shalt  }
0x83: {  	_ =	shalt  }
0x84: {  	_ =	shalt  }
0x85: {  	_ =	shalt  }
0x86: {  	_ =	shalt  }
0x87: {  	_ =	shalt  }
.Lfunc_end0:
.L_simem_size_0:
called_computation_lowered:
.L_overlay_start_0:
0x88: {  	s2 =	sld [smem:$0x3FD9]  }
0x89: {  	s3 =	sld [smem:$0x3FFE];
	_ =	sdelay $0x1  }
0x8a: {  	s1 =	srdreg.scid  }
0x8b: {  	s0 =	sand.u32 $0x1, s1  }
0x8c: {  	s17 =	sshll.u32 s0, $0xA;
	s2 =	sadd.s32 s3, s2  }
0x8d: {  	s2 =	sadd.s32 s2, s17  }
0x8e: {  	[smem:$0x3FC2] =	sst s2  }
0x8f: {  	_ = 	snop  }
0x90: {  	s2 =	sld [smem:$0x3FD0];
	(tm) =	ssettm $0x1  }
0x91: {  	s18 =	sld [smem:$0x3FFB];
	_ =	sdelay $0x3  }
0x92: {  	_ =	strace s18  }
0x93: {  	s3 =	sld [smem:$0x3FFC];
	_ =	sdelay $0x3  }
0x94: {  	_ =	strace s3  }
0x95: {  	s3 =	sld [smem:$0x3FFD];
	_ =	sdelay $0x3  }
0x96: {  	_ =	strace s3  }
0x97: {  	_ =	strace $0x8FFFFFFF  }
0x98: {  	s19 =	sld [smem:$0x3FDB];
	_ =	sdelay $0x1  }
0x99: {  	s4 =	simm.s32 $_scs_section_size  }
0x9a: {  	s5 =	simm.s32 $_size__tile_overlayer_lowered;
	s6 =	simm.s32 $_tile_overlayer_lowered  }
0x9b: {  	s22 =	simm.s32 $0x1BFF;
	s21 =	sshll.u32 s6, $0x1;
	s3 =	sadd.s32 s4, s19  }
0x9c: {  	s7 =	simm.s32 $0x0;
	s20 =	sshll.u32 s5, $0x1;
	s5 =	sadd.s32 s21, s3  }
0x9d: {  	[timem:s7], [sflag:s22] =	dma.local [hbm:s5], s20  }
0x9e: {  	_ =	swait.ge [sflag:s22], s20  }
0x9f: {  	s4 =	ssub.s32 $0x0, s20;
	[sflag:s22] =	ssyncset.done $0x0  }
0xa0: {  	[sflag:s22] =	ssyncadd.s32 s4;
	_ =	sdelay $0x1  }
0xa1: {  	s23 =	simm.s32 $0x1B8B  }
0xa2: {  	_ =	swait.ge [sflag:s23], $0x1  }
0xa3: {  	[sflag:s23] =	ssyncset.done $0x0  }
0xa4: {  	s25 =	simm.s32 $0x1B8E;
	s24 =	sld [smem:$0x3FFE];
	[sflag:s23] =	ssyncadd.s32 $0xFFFFFFFF  }
0xa5: {  	s26 =	simm.s32 $execute0_lowered;
	[smem:$0x3FD2] =	sst s25  }
0xa6: {  	s5 =	sshll.u32 s26, $0x1;
	_ =	strace $0x80000046;
	[dreg:$0x1] =	wrdreg $0xFFFFFFFF  }
0xa7: {  	s28 =	simm.s32 $_size_execute0_lowered;
	s3 =	sadd.s32 s3, s5;
	[dreg:$0x0] =	wrdreg $0x0  }
0xa8: {  	s5 =	sshll.u32 s28, $0x1;
	[dreg:$0x2] =	wrdreg s3  }
0xa9: {  	[dreg:$0x3] =	wrdreg s5  }
0xaa: {  	[dreg:$0x4] =	wrdreg $0xC0  }
0xab: {  	_ =	task [dreg:s7], $0x5FFFF  }
0xac: {  	[dreg:$0x1] =	wrdreg $0xFFFFFFFF  }
0xad: {  	[dreg:$0x0] =	wrdreg $0x60  }
0xae: {  	[dreg:$0x2] =	wrdreg s24  }
0xaf: {  	[dreg:$0x3] =	wrdreg s2  }
0xb0: {  	[dreg:$0x4] =	wrdreg $0xA9000  }
0xb1: {  	[dreg:$0x5] =	wrdreg $0x1E9000  }
0xb2: {  	[dreg:$0x6] =	wrdreg $0x9  }
0xb3: {  	_ =	task.clear_ibuf [dreg:s7], $0x7FFFF;
	_ =	strace $0x90000046  }
0xb4: {  	s29 =	simm.s32 $0x9;
	_ =	strace $0x80000048  }
0xb5: {  	_ =	swait.ge [sflag:s29], $0x1  }
0xb6: {  	[sflag:s29] =	ssyncadd.s32 $0xFFFFFFFF  }
0xb7: {  	_ =	strace $0x90000048  }
0xb8: {  	_ =	sfence  }
0xb9: {  	s30 =	sld [smem:$0x0];
	_ =	sdelay $0x2  }
0xba: {  	s31 =	sshll.u32 s1, $0xD;
	s1 =	sshrl.u32 s1, $0x2  }
0xbb: {  	s3 =	sand.u32 $0x4000, s31;
	s1 =	sadd.s32 s1, s30  }
0xbc: {  	s0 =	sor.u32 s3, s0;
	s1 =	sshll.u32 s1, $0x11  }
0xbd: {  	s0 =	sor.u32 s1, s0  }
0xbe: {  	s0 =	sadd.s32 $0x8F2B, s0  }
0xbf: {  	[sflag:s0] =	ssyncadd.remote.s32 $0x1  }
0xc0: {  	_ =	sfence.sel $0xFFFF  }
0xc1: {  	[dreg:$0x0] =	wrdreg $0xFFFFFFFF;
	(pc) =	sbr.abs _section_cstart, $3  }
0xc2: {  	[dreg:$0x1] =	wrdreg $0xFFFFFFFF  }
0xc3: {  	_ =	task.clear_ibuf [dreg:s7], $0x2FFFF;
	_ =	strace $0x9FFFFFFF  }
0xc4: {  	(tm) =	ssettm $0x7FFFFFFF  }
0xc5: {  	_ =	shalt  }
tec
execute0_lowered:
.L_overlay_start_1:
0x0: {  	(tag) =	ssettag $0x1  }
0x1: {  	s1 =	rddreg [dreg:$0x0]  }
0x2: {  	s2 =	rddreg [dreg:$0x1];
	s13 =	stileid.u32  }
0x3: {  	s3 =	srdreg.scid;
	s6 =	smul.u32 $0x14000, s13  }
0x4: {  	s0 =	rddreg [dreg:$0x2];
	s7 =	simm.s32 $0x0;
	s11 =	smul.u32 $0x50000, s13  }
0x5: {  	s4 =	sand.u32 $0x1, s3;
	s3 =	rddreg [dreg:$0x3];
	s20 =	smul.u32 $0x2800, s13  }
0x6: {  	[smem:$0x7FF] =	sst s7;
	s12 =	smul.u32 $0x280, s13  }
0x7: {  	s16 =	sadd.s32 $0x1800, s1;
	s5 =	smul.u32 $0x140000, s4;
	_ =	strace $0x80000047  }
0x8: {  	s17 =	sshll.u32 s4, $0x4;
	s9 =	ssub.s32 $0x2, s4;
	p0 =	sne.s32 s4, $0x0  }
0x9: {  	s10 =	sor.u32 s13, s17;
	s18 =	sshrl.u32 s9, $0x1;
	s19 =	sshrl.u32 s11, $0x2  }
0xa: {  	s15 =	sadd.s32 $0x140, s12;
	s6 =	sadd.s32 s6, s5;
	s5 =	sadd.s32 $0xB800, s1  }
0xb: {  	s10 =	smul.u32 $0x2800, s10;
	s9 =	ssub.s32 s9, s18;
	s18 =	sadd.s32 $0x190, s12  }
0xc: {  	s6 =	sshrl.u32 s6, $0x3;
	s11 =	sadd.s32 s5, s20;
	s26 =	smax.u32 s9, $0x1  }
0xd: {  	s20 =	sshll.u32 s18, $0x7;
	s8 =	sadd.s32 s6, s1;
	[dreg:$0x5] =	wrdreg s11  }
0xe: {  	s6 =	sadd.s32 s19, s0;
	[dreg:$0xb] =	wrdreg s26;
	s19 =	sadd.s32 s15, s3  }
0xf: {  	s10 =	sshrl.u32 s10, $0x3;
	s4 =	sadd.s32 s20, s0;
	[dreg:$0x13] =	wrdreg s19  }
0x10: {  	s23 =	sor.u32 $0x50, s12;
	s21 =	sadd.s32 s2, s10;
	[dreg:$0x14] =	wrdreg s4  }
0x11: {  	s22 =	sadd.s32 $0x280, s10;
	s10 =	sadd.s32 s16, s10;
	[dreg:$0x6] =	wrdreg s21  }
0x12: {  	s11 =	sadd.s32 $0xF0, s12;
	s24 =	sadd.s32 $0x33800, s8;
	[dreg:$0x7] =	wrdreg s10  }
0x13: {  	s1 =	sadd.s32 s17, s1;
	s17 =	sadd.s32 s11, s3;
	[dreg:$0xa] =	wrdreg s24  }
0x14: {  	s25 =	sshll.u32 s23, $0x7;
	s4 =	sadd.s32 $0x83800, s1;
	[dreg:$0x11] =	wrdreg s17  }
0x15: {  	s9 =	sadd.s32 $0xA0, s12;
	s8 =	sadd.s32 $0x83A80, s1;
	[dreg:$0x1a] =	wrdreg s4  }
0x16: {  	s14 =	sshll.u32 s11, $0x7;
	s11 =	sadd.s32 $0x83E40, s1;
	[dreg:$0x1c] =	wrdreg s8  }
0x17: {  	s2 =	sadd.s32 s2, s22;
	s7 =	sadd.s32 s16, s22;
	[dreg:$0x1f] =	wrdreg s11  }
0x18: {  	s21 =	sadd.s32 $0x1E0, s12;
	s24 =	sadd.s32 s12, s3;
	[dreg:$0x8] =	wrdreg s2  }
0x19: {  	s22 =	sadd.s32 $0x230, s12;
	s12 =	sadd.s32 $0x83F80, s1;
	[dreg:$0x9] =	wrdreg s7  }
0x1a: {  	s7 =	sadd.s32 s25, s0;
	[smem:$0x7F4] =	sst s12  }
0x1b: {  	s2 =	sadd.s32 s23, s3;
	[dreg:$0xc] =	wrdreg s7  }
0x1c: {  	s26 =	sadd.s32 s22, s3;
	[dreg:$0xd] =	wrdreg s2  }
0x1d: {  	p1 =	sne.s32 s13, $0x0;
	s13 =	sadd.s32 $0x50, s24;
	[dreg:$0x19] =	wrdreg s26  }
0x1e: {  	s16 =	sshll.u32 s15, $0x7;
	s15 =	sadd.s32 $0xF0, s24;
	[smem:$0x7F7] =	sst s13  }
0x1f: {  	s10 =	sshll.u32 s9, $0x7;
	s17 =	sadd.s32 $0x190, s24;
	[smem:$0x7F9] =	sst s15  }
0x20: {  	s28 =	simm.s32 $0x3;
	s2 =	sadd.s32 s10, s0;
	[smem:$0x7FB] =	sst s17  }
0x21: {  	s29 =	simm.s32 $0xA800;
	s7 =	sadd.s32 s9, s3;
	[dreg:$0xe] =	wrdreg s2  }
0x22: {  	s30 =	simm.s32 $0xA880;
	s9 =	sadd.s32 $0x83BC0, s1;
	[dreg:$0xf] =	wrdreg s7  }
0x23: {  	s31 =	simm.s32 $0x0;
	s10 =	sadd.s32 $0x83D00, s1;
	[dreg:$0x1d] =	wrdreg s9  }
0x24: {  	s8 =	simm.s32 $0x6800;
	s26 =	sadd.s32 $0x230, s24;
	[dreg:$0x1e] =	wrdreg s10  }
0x25: {  	s23 =	sshll.u32 s21, $0x7;
	s2 =	sadd.s32 s14, s0;
	[smem:$0x7FD] =	sst s26  }
0x26: {  	s11 =	simm.s32 $0x1380;
	s7 =	sadd.s32 s23, s0;
	[dreg:$0x10] =	wrdreg s2  }
0x27: {  	s25 =	sshll.u32 s22, $0x7;
	s14 =	sadd.s32 $0xA0, s24;
	[dreg:$0x16] =	wrdreg s7  }
0x28: {  	s12 =	simm.s32 $0x2700;
	s2 =	sadd.s32 s16, s0;
	[smem:$0x7F8] =	sst s14  }
0x29: {  	s13 =	simm.s32 $0x2780;
	s7 =	sadd.s32 $0x83940, s1;
	[dreg:$0x12] =	wrdreg s2  }
0x2a: {  	s26 =	simm.s32 $0x2800;
	s1 =	sadd.s32 $0x840C0, s1;
	[dreg:$0x1b] =	wrdreg s7  }
0x2b: {  	s9 =	simm.s32 $0x1;
	s16 =	sadd.s32 $0x140, s24;
	[smem:$0x7F5] =	sst s1  }
0x2c: {  	s10 =	simm.s32 $0x2;
	s2 =	sadd.s32 s18, s3;
	[smem:$0x7FA] =	sst s16  }
0x2d: {  	s1 =	sadd.s32 $0x500, s3;
	[dreg:$0x15] =	wrdreg s2;
	s2 =	sadd.s32 s21, s3  }
0x2e: {  	s1 =	sshrl.u32 @!p1 s1, $0x3;
	[dreg:$0x17] =	wrdreg s2;
	s2 =	sadd.s32 s25, s0  }
0x2f: {  	[smem:$0x7F6] =	sst s1;
	s1 =	sadd.s32 $0xA00, s3;
	s25 =	sadd.s32 $0x1E0, s24  }
0x30: {  	[dreg:$0x18] =	wrdreg s2;
	s2 =	sadd.s32 $0xF00, s3;
	s18 =	sshrl.u32 @!p1 s1, $0x3  }
0x31: {  	s1 =	sadd.s32 $0x1400, s3;
	[smem:$0x7FC] =	sst s25;
	s25 =	simm.s32 $0x7D  }
0x32: {  	s19 =	sshrl.u32 @!p1 s2, $0x3;
	s20 =	sshrl.u32 @!p1 s1, $0x3;
	s1 =	sadd.s32 $0x1900, s3  }
0x33: {  	s2 =	sadd.s32 $0x1E00, s3;
	s21 =	sshrl.u32 @!p1 s1, $0x3;
	s1 =	sadd.s32 $0x2300, s3  }
0x34: {  	v0 =	vimm.f32 $1.000000000e+00;
	v1 =	vimm.f32 $0.0e+00;
	s22 =	sshrl.u32 @!p1 s2, $0x3;
	s2 =	simm.s32 $0x1400;
	s23 =	sshrl.u32 @!p1 s1, $0x3  }
.LBB2_1:
0x35: {  	[tilespmem:$0xA800] =	vst v0  }
0x36: {  	[tilespmem:$0xA880] =	vst v1  }
0x37: {  	[tilespmem:$0xA810] =	vst v0  }
0x38: {  	[tilespmem:$0xA890] =	vst v1  }
0x39: {  	[tilespmem:$0xA820] =	vst v0  }
0x3a: {  	[tilespmem:$0xA8A0] =	vst v1  }
0x3b: {  	[tilespmem:$0xA830] =	vst v0  }
0x3c: {  	[tilespmem:$0xA8B0] =	vst v1  }
0x3d: {  	[tilespmem:$0xA840] =	vst v0  }
0x3e: {  	[tilespmem:$0xA8C0] =	vst v1  }
0x3f: {  	[tilespmem:$0xA850] =	vst v0  }
.Ltmp0:
0x40: {  	[tilespmem:$0xA8D0] =	vst v1;
	(pc) =	sbr.rel @p0 .LBB2_3-.Ltmp0, $4  }
0x41: {  	[tilespmem:$0xA860] =	vst v0  }
0x42: {  	[tilespmem:$0xA8E0] =	vst v1;
	s1 =	stileid.u32  }
0x43: {  	[tilespmem:$0xA870] =	vst v0;
	s1 =	sshll.u32 s1, $0x6  }
0x44: {  	[tilespmem:$0xA8F0] =	vst v1;
	s4 =	sshrl.u32 s6, $0x3;
	s1 =	sor.u32 $0x1C03, s1  }
0x45: {  	s7 =	rddreg [dreg:$0x5]  }
0x46: {  	[spmem:s4], [sflag:s1] =	dma.local [hbm:s7], $0x2800  }
0x47: {  	_ =	swait.ge [sflag:s28], $0x2800  }
0x48: {  	[sflag:s28] =	ssyncset.done $0x0  }
0x49: {  	[sflag:s28] =	ssyncadd.s32 $0xFFFFD800  }
0x4a: {  	[spmem:s24] =	stream.linear.scatter [tilespmem:s29], [sflag:$0x3], $0x50, $0x38;
	[tilespmem:$0x1EB80] =	vst v63  }
0x4b: {  	_ =	swait.ge [sflag:s28], $0x50  }
0x4c: {  	s15 =	sld [smem:$0x7F7]  }
0x4d: {  	[sflag:s28] =	ssyncset.done $0x0  }
0x4e: {  	[sflag:s28] =	ssyncadd.s32 $0xFFFFFFB0  }
0x4f: {  	[spmem:s15] =	stream.linear.scatter [tilespmem:s29], [sflag:$0x3], $0x50, $0x38;
	[tilespmem:$0x1EB80] =	vst v63  }
0x50: {  	_ =	swait.ge [sflag:s28], $0x50  }
0x51: {  	s16 =	sld [smem:$0x7F8]  }
0x52: {  	[sflag:s28] =	ssyncset.done $0x0  }
0x53: {  	[sflag:s28] =	ssyncadd.s32 $0xFFFFFFB0  }
0x54: {  	[spmem:s16] =	stream.linear.scatter [tilespmem:s29], [sflag:$0x3], $0x50, $0x38;
	[tilespmem:$0x1EB80] =	vst v63  }
0x55: {  	_ =	swait.ge [sflag:s28], $0x50  }
0x56: {  	s17 =	sld [smem:$0x7F9]  }
0x57: {  	[sflag:s28] =	ssyncset.done $0x0  }
0x58: {  	[sflag:s28] =	ssyncadd.s32 $0xFFFFFFB0  }
0x59: {  	[spmem:s17] =	stream.linear.scatter [tilespmem:s29], [sflag:$0x3], $0x50, $0x38;
	[tilespmem:$0x1EB80] =	vst v63  }
0x5a: {  	_ =	swait.ge [sflag:s28], $0x50  }
0x5b: {  	s14 =	sld [smem:$0x7FA]  }
0x5c: {  	[sflag:s28] =	ssyncset.done $0x0  }
0x5d: {  	[sflag:s28] =	ssyncadd.s32 $0xFFFFFFB0  }
0x5e: {  	[spmem:s14] =	stream.linear.scatter [tilespmem:s29], [sflag:$0x3], $0x50, $0x38;
	[tilespmem:$0x1EB80] =	vst v63  }
0x5f: {  	_ =	swait.ge [sflag:s28], $0x50  }
0x60: {  	s15 =	sld [smem:$0x7FB]  }
0x61: {  	[sflag:s28] =	ssyncset.done $0x0  }
0x62: {  	[sflag:s28] =	ssyncadd.s32 $0xFFFFFFB0  }
0x63: {  	[spmem:s15] =	stream.linear.scatter [tilespmem:s29], [sflag:$0x3], $0x50, $0x38;
	[tilespmem:$0x1EB80] =	vst v63  }
0x64: {  	_ =	swait.ge [sflag:s28], $0x50  }
0x65: {  	s16 =	sld [smem:$0x7FC]  }
0x66: {  	[sflag:s28] =	ssyncset.done $0x0  }
0x67: {  	[sflag:s28] =	ssyncadd.s32 $0xFFFFFFB0  }
0x68: {  	[spmem:s16] =	stream.linear.scatter [tilespmem:s29], [sflag:$0x3], $0x50, $0x38;
	[tilespmem:$0x1EB80] =	vst v63  }
.Ltmp1:
0x69: {  	_ =	swait.ge [sflag:s28], $0x50;
	(pc) =	sbr.rel .LBB2_6-.Ltmp1, $4  }
0x6a: {  	s17 =	sld [smem:$0x7FD]  }
0x6b: {  	[sflag:s28] =	ssyncset.done $0x0  }
0x6c: {  	[sflag:s28] =	ssyncadd.s32 $0xFFFFFFB0  }
0x6d: {  	[spmem:s17] =	stream.linear.scatter [tilespmem:s29], [sflag:$0x3], $0x50, $0x38;
	[tilespmem:$0x1EB80] =	vst v63  }
.LBB2_3:
0x6e: {  	s14 =	simm.s32 $0x0  }
0x6f: {  	s7 =	sand.u32 $0xFE00, s14  }
0x70: {  	s14 =	sand.u32 $0x70, s14;
	s15 =	sshrl.u32 s7, $0x2  }
0x71: {  	s7 =	simm.s32 $0x40;
	s15 =	sor.u32 s14, s15;
	s14 =	simm.s32 $0x0  }
.LBB2_4:
0x72: {  	p2 =	seq.s32 s7, $0x9FC0  }
0x73: {  	[tilespmem:s15+$0x2800] =	vst v1;
	s14 =	sadd.s32 $0x10, s14;
	s15 =	smov.u32 s7;
	s7 =	sadd.s32 $0x40, s7  }
.Ltmp2:
0x74: {  	(pc) =	sbr.rel @!p2 .LBB2_4-.Ltmp2, $4  }
0x75: {  	_ = 	snop  }
0x76: {  	s15 =	sand.u32 $0xFE00, s15  }
0x77: {  	s16 =	sand.u32 $0x70, s14;
	s15 =	sshrl.u32 s15, $0x2  }
0x78: {  	s15 =	sor.u32 s16, s15  }
0x79: {  	[tilespmem:s15+$0x2800] =	vst v1  }
0x7a: {  	[spmem:s6] =	stream.linear.scatter [tilespmem:s26], [sflag:$0x3], $0x2800, $0x38;
	[tilespmem:$0x1EB80] =	vst v63  }
0x7b: {  	_ =	swait.ge [sflag:s28], $0x2800  }
0x7c: {  	[sflag:s28] =	ssyncset.done $0x0  }
0x7d: {  	[sflag:s28] =	ssyncadd.s32 $0xFFFFD800  }
0x7e: {  	[spmem:s24] =	stream.linear.scatter [tilespmem:s30], [sflag:$0x3], $0x50, $0x38;
	[tilespmem:$0x1EB80] =	vst v63  }
0x7f: {  	_ =	swait.ge [sflag:s28], $0x50  }
0x80: {  	[sflag:s28] =	ssyncset.done $0x0  }
0x81: {  	s7 =	rddreg [dreg:$0xc];
	[sflag:s28] =	ssyncadd.s32 $0xFFFFFFB0  }
0x82: {  	[spmem:s7] =	stream.linear.scatter [tilespmem:s26], [sflag:$0x3], $0x2800, $0x38;
	[tilespmem:$0x1EB80] =	vst v63  }
0x83: {  	_ =	swait.ge [sflag:s28], $0x2800  }
0x84: {  	[sflag:s28] =	ssyncset.done $0x0  }
0x85: {  	s17 =	rddreg [dreg:$0xd];
	[sflag:s28] =	ssyncadd.s32 $0xFFFFD800  }
0x86: {  	[spmem:s17] =	stream.linear.scatter [tilespmem:s30], [sflag:$0x3], $0x50, $0x38;
	[tilespmem:$0x1EB80] =	vst v63  }
0x87: {  	_ =	swait.ge [sflag:s28], $0x50  }
0x88: {  	[sflag:s28] =	ssyncset.done $0x0  }
0x89: {  	s14 =	rddreg [dreg:$0xe];
	[sflag:s28] =	ssyncadd.s32 $0xFFFFFFB0  }
0x8a: {  	[spmem:s14] =	stream.linear.scatter [tilespmem:s26], [sflag:$0x3], $0x2800, $0x38;
	[tilespmem:$0x1EB80] =	vst v63  }
0x8b: {  	_ =	swait.ge [sflag:s28], $0x2800  }
0x8c: {  	[sflag:s28] =	ssyncset.done $0x0  }
0x8d: {  	s15 =	rddreg [dreg:$0xf];
	[sflag:s28] =	ssyncadd.s32 $0xFFFFD800  }
0x8e: {  	[spmem:s15] =	stream.linear.scatter [tilespmem:s30], [sflag:$0x3], $0x50, $0x38;
	[tilespmem:$0x1EB80] =	vst v63  }
0x8f: {  	_ =	swait.ge [sflag:s28], $0x50  }
0x90: {  	[sflag:s28] =	ssyncset.done $0x0  }
0x91: {  	s16 =	rddreg [dreg:$0x10];
	[sflag:s28] =	ssyncadd.s32 $0xFFFFFFB0  }
0x92: {  	[spmem:s16] =	stream.linear.scatter [tilespmem:s26], [sflag:$0x3], $0x2800, $0x38;
	[tilespmem:$0x1EB80] =	vst v63  }
0x93: {  	_ =	swait.ge [sflag:s28], $0x2800  }
0x94: {  	[sflag:s28] =	ssyncset.done $0x0  }
0x95: {  	s17 =	rddreg [dreg:$0x11];
	[sflag:s28] =	ssyncadd.s32 $0xFFFFD800  }
0x96: {  	[spmem:s17] =	stream.linear.scatter [tilespmem:s30], [sflag:$0x3], $0x50, $0x38;
	[tilespmem:$0x1EB80] =	vst v63  }
0x97: {  	_ =	swait.ge [sflag:s28], $0x50  }
0x98: {  	[sflag:s28] =	ssyncset.done $0x0  }
0x99: {  	s14 =	rddreg [dreg:$0x12];
	[sflag:s28] =	ssyncadd.s32 $0xFFFFFFB0  }
0x9a: {  	[spmem:s14] =	stream.linear.scatter [tilespmem:s26], [sflag:$0x3], $0x2800, $0x38;
	[tilespmem:$0x1EB80] =	vst v63  }
0x9b: {  	_ =	swait.ge [sflag:s28], $0x2800  }
0x9c: {  	[sflag:s28] =	ssyncset.done $0x0  }
0x9d: {  	s15 =	rddreg [dreg:$0x13];
	[sflag:s28] =	ssyncadd.s32 $0xFFFFD800  }
0x9e: {  	[spmem:s15] =	stream.linear.scatter [tilespmem:s30], [sflag:$0x3], $0x50, $0x38;
	[tilespmem:$0x1EB80] =	vst v63  }
0x9f: {  	_ =	swait.ge [sflag:s28], $0x50  }
0xa0: {  	[sflag:s28] =	ssyncset.done $0x0  }
0xa1: {  	s16 =	rddreg [dreg:$0x14];
	[sflag:s28] =	ssyncadd.s32 $0xFFFFFFB0  }
0xa2: {  	[spmem:s16] =	stream.linear.scatter [tilespmem:s26], [sflag:$0x3], $0x2800, $0x38;
	[tilespmem:$0x1EB80] =	vst v63  }
0xa3: {  	_ =	swait.ge [sflag:s28], $0x2800  }
0xa4: {  	[sflag:s28] =	ssyncset.done $0x0  }
0xa5: {  	s17 =	rddreg [dreg:$0x15];
	[sflag:s28] =	ssyncadd.s32 $0xFFFFD800  }
0xa6: {  	[spmem:s17] =	stream.linear.scatter [tilespmem:s30], [sflag:$0x3], $0x50, $0x38;
	[tilespmem:$0x1EB80] =	vst v63  }
0xa7: {  	_ =	swait.ge [sflag:s28], $0x50  }
0xa8: {  	[sflag:s28] =	ssyncset.done $0x0  }
0xa9: {  	s14 =	rddreg [dreg:$0x16];
	[sflag:s28] =	ssyncadd.s32 $0xFFFFFFB0  }
0xaa: {  	[spmem:s14] =	stream.linear.scatter [tilespmem:s26], [sflag:$0x3], $0x2800, $0x38;
	[tilespmem:$0x1EB80] =	vst v63  }
0xab: {  	_ =	swait.ge [sflag:s28], $0x2800  }
0xac: {  	[sflag:s28] =	ssyncset.done $0x0  }
0xad: {  	s15 =	rddreg [dreg:$0x17];
	[sflag:s28] =	ssyncadd.s32 $0xFFFFD800  }
0xae: {  	[spmem:s15] =	stream.linear.scatter [tilespmem:s30], [sflag:$0x3], $0x50, $0x38;
	[tilespmem:$0x1EB80] =	vst v63  }
0xaf: {  	_ =	swait.ge [sflag:s28], $0x50  }
0xb0: {  	[sflag:s28] =	ssyncset.done $0x0  }
0xb1: {  	s16 =	rddreg [dreg:$0x18];
	[sflag:s28] =	ssyncadd.s32 $0xFFFFFFB0  }
0xb2: {  	[spmem:s16] =	stream.linear.scatter [tilespmem:s26], [sflag:$0x3], $0x2800, $0x38;
	[tilespmem:$0x1EB80] =	vst v63  }
0xb3: {  	_ =	swait.ge [sflag:s28], $0x2800  }
0xb4: {  	[sflag:s28] =	ssyncset.done $0x0  }
0xb5: {  	s17 =	rddreg [dreg:$0x19];
	[sflag:s28] =	ssyncadd.s32 $0xFFFFD800  }
0xb6: {  	[spmem:s17] =	stream.linear.scatter [tilespmem:s30], [sflag:$0x3], $0x50, $0x38;
	[tilespmem:$0x1EB80] =	vst v63  }
.LBB2_6:
0xb7: {  	_ =	swait.ge [sflag:s28], $0x50  }
0xb8: {  	[sflag:s28] =	ssyncset.done $0x0  }
0xb9: {  	[sflag:s28] =	ssyncadd.s32 $0xFFFFFFB0  }
0xba: {  	[bflag:$0x0] =	sbarrier.arrive $0xFFFF  }
0xbb: {  	s7 =	simm.s32 $0x0;
	s14 =	rddreg [dreg:$0x6]  }
0xbc: {  	[tilespmem:s7], [sflag:$0x3] =	stream.linear.gather [hbm4b:s14+s7], $0x1400, $0x38;
	[tilespmem:$0x1EB80] =	vst v63  }
0xbd: {  	_ =	swait.ge [sflag:s28], $0x1400  }
0xbe: {  	[sflag:s28] =	ssyncset.done $0x0  }
0xbf: {  	s17 =	rddreg [dreg:$0x7];
	[sflag:s28] =	ssyncadd.s32 $0xFFFFEC00  }
0xc0: {  	[tilespmem:s2], [sflag:$0x3] =	stream.linear.gather [hbm4b:s17+s7], $0x1400, $0x38;
	[tilespmem:$0x1EB80] =	vst v63  }
0xc1: {  	_ =	swait.ge [sflag:s28], $0x1400  }
0xc2: {  	[sflag:s28] =	ssyncset.done $0x0  }
0xc3: {  	[sflag:s28] =	ssyncadd.s32 $0xFFFFEC00  }
0xc4: {  	[tilespmem:s26], [sflag:$0x1] =	stream.indirect.gather [hbm4b:s5+s25], $0x80, s7, s25, $0xb8;
	[tilespmem:$0x1EB80] =	vst v63  }
0xc5: {  	s14 =	simm.s32 $0x80  }
0xc6: {  	[tilespmem:s8], [sflag:$0x2] =	stream.indirect.gather [hbm4b:s5+s25], $0x80, s14, s25, $0xb8;
	[tilespmem:$0x1EB80] =	vst v63  }
0xc7: {  	_ =	swait.ge [sflag:s9], $0x3E80  }
0xc8: {  	[sflag:s9] =	ssyncset.done $0x0  }
0xc9: {  	s15 =	simm.s32 $0x1400;
	[sflag:s9] =	ssyncadd.s32 $0xFFFFC180  }
0xca: {  	[spmem:s0] =	stream.indirect.scatter.add.f32 [tilespmem:s26], [sflag:$0x3], $0x80, s15, s25, $0xb8;
	[tilespmem:$0x1EB80] =	vst v63  }
0xcb: {  	_ =	swait.ge [sflag:s28], $0x3E80  }
0xcc: {  	[sflag:s28] =	ssyncset.done $0x0  }
0xcd: {  	[sflag:s28] =	ssyncadd.s32 $0xFFFFC180  }
0xce: {  	[spmem:s3] =	stream.indirect.scatter.add.f32 [tilespmem:s29], [sflag:$0x3], $0x1, s15, s25, $0xb8;
	[tilespmem:$0x1EB80] =	vst v63  }
0xcf: {  	_ =	swait.ge [sflag:s28], $0x7D  }
0xd0: {  	[sflag:s28] =	ssyncset.done $0x0  }
0xd1: {  	s16 =	simm.s32 $0x100;
	[sflag:s28] =	ssyncadd.s32 $0xFFFFFF83  }
0xd2: {  	[tilespmem:s26], [sflag:$0x1] =	stream.indirect.gather [hbm4b:s5+s25], $0x80, s16, s25, $0xb8;
	[tilespmem:$0x1EB80] =	vst v63  }
0xd3: {  	_ =	swait.ge [sflag:s10], $0x3E80  }
0xd4: {  	[sflag:s10] =	ssyncset.done $0x0  }
0xd5: {  	s17 =	simm.s32 $0x1480;
	[sflag:s10] =	ssyncadd.s32 $0xFFFFC180  }
0xd6: {  	[spmem:s0] =	stream.indirect.scatter.add.f32 [tilespmem:s8], [sflag:$0x3], $0x80, s17, s25, $0xb8;
	[tilespmem:$0x1EB80] =	vst v63  }
0xd7: {  	_ =	swait.ge [sflag:s28], $0x3E80  }
0xd8: {  	[sflag:s28] =	ssyncset.done $0x0  }
0xd9: {  	[sflag:s28] =	ssyncadd.s32 $0xFFFFC180  }
0xda: {  	[spmem:s3] =	stream.indirect.scatter.add.f32 [tilespmem:s29], [sflag:$0x3], $0x1, s17, s25, $0xb8;
	[tilespmem:$0x1EB80] =	vst v63  }
0xdb: {  	_ =	swait.ge [sflag:s28], $0x7D  }
0xdc: {  	s7 =	simm.s32 $0x100;
	s14 =	simm.s32 $0x800;
	[sflag:s28] =	ssyncset.done $0x0  }
.LBB2_7:
0xdd: {  	s15 =	sadd.s32 $0x80, s7  }
0xde: {  	[sflag:s28] =	ssyncadd.s32 $0xFFFFFF83;
	s16 =	smov.u32 s14;
	s17 =	sadd.s32 $0x400, s14  }
0xdf: {  	[tilespmem:s8], [sflag:$0x2] =	stream.indirect.gather [hbm4b:s5+s25], $0x80, s15, s25, $0xb8;
	[tilespmem:$0x1EB80] =	vst v63  }
0xe0: {  	p2 =	sne.s32 s14, $0x4800;
	_ =	swait.ge [sflag:s9], $0x3E80  }
0xe1: {  	[sflag:s9] =	ssyncset.done $0x0  }
0xe2: {  	s14 =	sadd.s32 $0x1400, s7;
	[sflag:s9] =	ssyncadd.s32 $0xFFFFC180  }
0xe3: {  	[spmem:s0] =	stream.indirect.scatter.add.f32 [tilespmem:s26], [sflag:$0x3], $0x80, s14, s25, $0xb8;
	[tilespmem:$0x1EB80] =	vst v63  }
0xe4: {  	_ =	swait.ge [sflag:s28], $0x3E80  }
0xe5: {  	[sflag:s28] =	ssyncset.done $0x0  }
0xe6: {  	[sflag:s28] =	ssyncadd.s32 $0xFFFFC180  }
0xe7: {  	[spmem:s3] =	stream.indirect.scatter.add.f32 [tilespmem:s29], [sflag:$0x3], $0x1, s14, s25, $0xb8;
	[tilespmem:$0x1EB80] =	vst v63  }
0xe8: {  	_ =	swait.ge [sflag:s28], $0x7D  }
0xe9: {  	[sflag:s28] =	ssyncset.done $0x0  }
0xea: {  	s14 =	sadd.s32 $0x100, s7;
	[sflag:s28] =	ssyncadd.s32 $0xFFFFFF83  }
0xeb: {  	[tilespmem:s26], [sflag:$0x1] =	stream.indirect.gather [hbm4b:s5+s25], $0x80, s14, s25, $0xb8;
	[tilespmem:$0x1EB80] =	vst v63  }
0xec: {  	_ =	swait.ge [sflag:s10], $0x3E80  }
0xed: {  	[sflag:s10] =	ssyncset.done $0x0  }
0xee: {  	s7 =	sadd.s32 $0x1480, s7;
	[sflag:s10] =	ssyncadd.s32 $0xFFFFC180  }
0xef: {  	[spmem:s0] =	stream.indirect.scatter.add.f32 [tilespmem:s8], [sflag:$0x3], $0x80, s7, s25, $0xb8;
	[tilespmem:$0x1EB80] =	vst v63  }
0xf0: {  	_ =	swait.ge [sflag:s28], $0x3E80  }
.Ltmp3:
0xf1: {  	[sflag:s28] =	ssyncset.done $0x0;
	(pc) =	sbr.rel @p2 .LBB2_7-.Ltmp3, $4  }
0xf2: {  	[sflag:s28] =	ssyncadd.s32 $0xFFFFC180  }
0xf3: {  	[spmem:s3] =	stream.indirect.scatter.add.f32 [tilespmem:s29], [sflag:$0x3], $0x1, s7, s25, $0xb8;
	[tilespmem:$0x1EB80] =	vst v63  }
0xf4: {  	_ =	swait.ge [sflag:s28], $0x7D  }
0xf5: {  	s14 =	smov.u32 s17;
	s7 =	sshra.s32 s16, $0x2;
	[sflag:s28] =	ssyncset.done $0x0  }
0xf6: {  	s14 =	sadd.s32 $0x80, s7;
	[sflag:s28] =	ssyncadd.s32 $0xFFFFFF83  }
0xf7: {  	[tilespmem:s8], [sflag:$0x2] =	stream.indirect.gather [hbm4b:s5+s25], $0x80, s14, s25, $0xb8;
	[tilespmem:$0x1EB80] =	vst v63  }
0xf8: {  	_ =	swait.ge [sflag:s9], $0x3E80  }
0xf9: {  	[sflag:s9] =	ssyncset.done $0x0  }
0xfa: {  	s16 =	sadd.s32 $0x1400, s7;
	[sflag:s9] =	ssyncadd.s32 $0xFFFFC180  }
0xfb: {  	[spmem:s0] =	stream.indirect.scatter.add.f32 [tilespmem:s26], [sflag:$0x3], $0x80, s16, s25, $0xb8;
	[tilespmem:$0x1EB80] =	vst v63  }
0xfc: {  	_ =	swait.ge [sflag:s28], $0x3E80  }
0xfd: {  	[sflag:s28] =	ssyncset.done $0x0  }
0xfe: {  	[sflag:s28] =	ssyncadd.s32 $0xFFFFC180  }
0xff: {  	[spmem:s3] =	stream.indirect.scatter.add.f32 [tilespmem:s29], [sflag:$0x3], $0x1, s16, s25, $0xb8;
	[tilespmem:$0x1EB80] =	vst v63  }
0x100: {  	_ =	swait.ge [sflag:s28], $0x7D  }
0x101: {  	[sflag:s28] =	ssyncset.done $0x0  }
0x102: {  	s17 =	sadd.s32 $0x100, s7;
	[sflag:s28] =	ssyncadd.s32 $0xFFFFFF83  }
0x103: {  	[tilespmem:s26], [sflag:$0x1] =	stream.indirect.gather [hbm4b:s5+s25], $0x80, s17, s25, $0xb8;
	[tilespmem:$0x1EB80] =	vst v63  }
0x104: {  	_ =	swait.ge [sflag:s10], $0x3E80  }
0x105: {  	[sflag:s10] =	ssyncset.done $0x0  }
0x106: {  	s14 =	sadd.s32 $0x1480, s7;
	[sflag:s10] =	ssyncadd.s32 $0xFFFFC180  }
0x107: {  	[spmem:s0] =	stream.indirect.scatter.add.f32 [tilespmem:s8], [sflag:$0x3], $0x80, s14, s25, $0xb8;
	[tilespmem:$0x1EB80] =	vst v63  }
0x108: {  	_ =	swait.ge [sflag:s28], $0x3E80  }
0x109: {  	[sflag:s28] =	ssyncset.done $0x0  }
0x10a: {  	[sflag:s28] =	ssyncadd.s32 $0xFFFFC180  }
0x10b: {  	[spmem:s3] =	stream.indirect.scatter.add.f32 [tilespmem:s29], [sflag:$0x3], $0x1, s14, s25, $0xb8;
	[tilespmem:$0x1EB80] =	vst v63  }
0x10c: {  	_ =	swait.ge [sflag:s28], $0x7D  }
0x10d: {  	[sflag:s28] =	ssyncset.done $0x0  }
0x10e: {  	[sflag:s28] =	ssyncadd.s32 $0xFFFFFF83  }
0x10f: {  	[tilespmem:s8], [sflag:$0x2] =	stream.indirect.gather [hbm4b:s5+s25], $0x80, s11, s25, $0xb8;
	[tilespmem:$0x1EB80] =	vst v63  }
0x110: {  	_ =	swait.ge [sflag:s9], $0x3E80  }
0x111: {  	[sflag:s9] =	ssyncset.done $0x0  }
0x112: {  	[sflag:s9] =	ssyncadd.s32 $0xFFFFC180  }
0x113: {  	[spmem:s0] =	stream.indirect.scatter.add.f32 [tilespmem:s26], [sflag:$0x3], $0x80, s12, s25, $0xb8;
	[tilespmem:$0x1EB80] =	vst v63  }
0x114: {  	_ =	swait.ge [sflag:s28], $0x3E80  }
0x115: {  	[sflag:s28] =	ssyncset.done $0x0  }
0x116: {  	[sflag:s28] =	ssyncadd.s32 $0xFFFFC180  }
0x117: {  	[spmem:s3] =	stream.indirect.scatter.add.f32 [tilespmem:s29], [sflag:$0x3], $0x1, s12, s25, $0xb8;
	[tilespmem:$0x1EB80] =	vst v63  }
0x118: {  	_ =	swait.ge [sflag:s28], $0x7D  }
0x119: {  	[sflag:s28] =	ssyncset.done $0x0  }
0x11a: {  	[sflag:s28] =	ssyncadd.s32 $0xFFFFFF83  }
0x11b: {  	_ =	swait.ge [sflag:s10], $0x3E80  }
0x11c: {  	[sflag:s10] =	ssyncset.done $0x0  }
0x11d: {  	[sflag:s10] =	ssyncadd.s32 $0xFFFFC180  }
0x11e: {  	[spmem:s0] =	stream.indirect.scatter.add.f32 [tilespmem:s8], [sflag:$0x3], $0x80, s13, s25, $0xb8;
	[tilespmem:$0x1EB80] =	vst v63  }
0x11f: {  	_ =	swait.ge [sflag:s28], $0x3E80  }
0x120: {  	[sflag:s28] =	ssyncset.done $0x0  }
0x121: {  	[sflag:s28] =	ssyncadd.s32 $0xFFFFC180  }
0x122: {  	[spmem:s3] =	stream.indirect.scatter.add.f32 [tilespmem:s29], [sflag:$0x3], $0x1, s13, s25, $0xb8;
	[tilespmem:$0x1EB80] =	vst v63  }
0x123: {  	_ =	swait.ge [sflag:s28], $0x7D  }
0x124: {  	[sflag:s28] =	ssyncset.done $0x0  }
0x125: {  	s15 =	simm.s32 $0x0;
	s16 =	rddreg [dreg:$0x8];
	[sflag:s28] =	ssyncadd.s32 $0xFFFFFF83  }
0x126: {  	[tilespmem:s15], [sflag:$0x3] =	stream.linear.gather [hbm4b:s16+s15], $0x1400, $0x38;
	[tilespmem:$0x1EB80] =	vst v63  }
0x127: {  	_ =	swait.ge [sflag:s28], $0x1400  }
0x128: {  	[sflag:s28] =	ssyncset.done $0x0  }
0x129: {  	s17 =	rddreg [dreg:$0x9];
	[sflag:s28] =	ssyncadd.s32 $0xFFFFEC00  }
0x12a: {  	[tilespmem:s2], [sflag:$0x3] =	stream.linear.gather [hbm4b:s17+s15], $0x1400, $0x38;
	[tilespmem:$0x1EB80] =	vst v63  }
0x12b: {  	_ =	swait.ge [sflag:s28], $0x1400  }
0x12c: {  	[sflag:s28] =	ssyncset.done $0x0  }
0x12d: {  	[sflag:s28] =	ssyncadd.s32 $0xFFFFEC00  }
0x12e: {  	[tilespmem:s26], [sflag:$0x1] =	stream.indirect.gather [hbm4b:s5+s25], $0x80, s15, s25, $0xb8;
	[tilespmem:$0x1EB80] =	vst v63  }
0x12f: {  	s14 =	simm.s32 $0x80  }
0x130: {  	[tilespmem:s8], [sflag:$0x2] =	stream.indirect.gather [hbm4b:s5+s25], $0x80, s14, s25, $0xb8;
	[tilespmem:$0x1EB80] =	vst v63  }
0x131: {  	_ =	swait.ge [sflag:s9], $0x3E80  }
0x132: {  	[sflag:s9] =	ssyncset.done $0x0  }
0x133: {  	s15 =	simm.s32 $0x1400;
	[sflag:s9] =	ssyncadd.s32 $0xFFFFC180  }
0x134: {  	[spmem:s0] =	stream.indirect.scatter.add.f32 [tilespmem:s26], [sflag:$0x3], $0x80, s15, s25, $0xb8;
	[tilespmem:$0x1EB80] =	vst v63  }
0x135: {  	_ =	swait.ge [sflag:s28], $0x3E80  }
0x136: {  	[sflag:s28] =	ssyncset.done $0x0  }
0x137: {  	[sflag:s28] =	ssyncadd.s32 $0xFFFFC180  }
0x138: {  	[spmem:s3] =	stream.indirect.scatter.add.f32 [tilespmem:s29], [sflag:$0x3], $0x1, s15, s25, $0xb8;
	[tilespmem:$0x1EB80] =	vst v63  }
0x139: {  	_ =	swait.ge [sflag:s28], $0x7D  }
0x13a: {  	[sflag:s28] =	ssyncset.done $0x0  }
0x13b: {  	s16 =	simm.s32 $0x100;
	[sflag:s28] =	ssyncadd.s32 $0xFFFFFF83  }
0x13c: {  	[tilespmem:s26], [sflag:$0x1] =	stream.indirect.gather [hbm4b:s5+s25], $0x80, s16, s25, $0xb8;
	[tilespmem:$0x1EB80] =	vst v63  }
0x13d: {  	_ =	swait.ge [sflag:s10], $0x3E80  }
0x13e: {  	[sflag:s10] =	ssyncset.done $0x0  }
0x13f: {  	s17 =	simm.s32 $0x1480;
	[sflag:s10] =	ssyncadd.s32 $0xFFFFC180  }
0x140: {  	[spmem:s0] =	stream.indirect.scatter.add.f32 [tilespmem:s8], [sflag:$0x3], $0x80, s17, s25, $0xb8;
	[tilespmem:$0x1EB80] =	vst v63  }
0x141: {  	_ =	swait.ge [sflag:s28], $0x3E80  }
0x142: {  	[sflag:s28] =	ssyncset.done $0x0  }
0x143: {  	[sflag:s28] =	ssyncadd.s32 $0xFFFFC180  }
0x144: {  	[spmem:s3] =	stream.indirect.scatter.add.f32 [tilespmem:s29], [sflag:$0x3], $0x1, s17, s25, $0xb8;
	[tilespmem:$0x1EB80] =	vst v63  }
0x145: {  	_ =	swait.ge [sflag:s28], $0x7D  }
0x146: {  	s7 =	simm.s32 $0x100;
	s14 =	simm.s32 $0x800;
	[sflag:s28] =	ssyncset.done $0x0  }
.LBB2_9:
0x147: {  	s15 =	sadd.s32 $0x80, s7  }
0x148: {  	[sflag:s28] =	ssyncadd.s32 $0xFFFFFF83;
	s16 =	smov.u32 s14;
	s17 =	sadd.s32 $0x400, s14  }
0x149: {  	[tilespmem:s8], [sflag:$0x2] =	stream.indirect.gather [hbm4b:s5+s25], $0x80, s15, s25, $0xb8;
	[tilespmem:$0x1EB80] =	vst v63  }
0x14a: {  	p2 =	sne.s32 s14, $0x4800;
	_ =	swait.ge [sflag:s9], $0x3E80  }
0x14b: {  	[sflag:s9] =	ssyncset.done $0x0  }
0x14c: {  	s14 =	sadd.s32 $0x1400, s7;
	[sflag:s9] =	ssyncadd.s32 $0xFFFFC180  }
0x14d: {  	[spmem:s0] =	stream.indirect.scatter.add.f32 [tilespmem:s26], [sflag:$0x3], $0x80, s14, s25, $0xb8;
	[tilespmem:$0x1EB80] =	vst v63  }
0x14e: {  	_ =	swait.ge [sflag:s28], $0x3E80  }
0x14f: {  	[sflag:s28] =	ssyncset.done $0x0  }
0x150: {  	[sflag:s28] =	ssyncadd.s32 $0xFFFFC180  }
0x151: {  	[spmem:s3] =	stream.indirect.scatter.add.f32 [tilespmem:s29], [sflag:$0x3], $0x1, s14, s25, $0xb8;
	[tilespmem:$0x1EB80] =	vst v63  }
0x152: {  	_ =	swait.ge [sflag:s28], $0x7D  }
0x153: {  	[sflag:s28] =	ssyncset.done $0x0  }
0x154: {  	s14 =	sadd.s32 $0x100, s7;
	[sflag:s28] =	ssyncadd.s32 $0xFFFFFF83  }
0x155: {  	[tilespmem:s26], [sflag:$0x1] =	stream.indirect.gather [hbm4b:s5+s25], $0x80, s14, s25, $0xb8;
	[tilespmem:$0x1EB80] =	vst v63  }
0x156: {  	_ =	swait.ge [sflag:s10], $0x3E80  }
0x157: {  	[sflag:s10] =	ssyncset.done $0x0  }
0x158: {  	s7 =	sadd.s32 $0x1480, s7;
	[sflag:s10] =	ssyncadd.s32 $0xFFFFC180  }
0x159: {  	[spmem:s0] =	stream.indirect.scatter.add.f32 [tilespmem:s8], [sflag:$0x3], $0x80, s7, s25, $0xb8;
	[tilespmem:$0x1EB80] =	vst v63  }
0x15a: {  	_ =	swait.ge [sflag:s28], $0x3E80  }
.Ltmp4:
0x15b: {  	[sflag:s28] =	ssyncset.done $0x0;
	(pc) =	sbr.rel @p2 .LBB2_9-.Ltmp4, $4  }
0x15c: {  	[sflag:s28] =	ssyncadd.s32 $0xFFFFC180  }
0x15d: {  	[spmem:s3] =	stream.indirect.scatter.add.f32 [tilespmem:s29], [sflag:$0x3], $0x1, s7, s25, $0xb8;
	[tilespmem:$0x1EB80] =	vst v63  }
0x15e: {  	_ =	swait.ge [sflag:s28], $0x7D  }
0x15f: {  	s14 =	smov.u32 s17;
	s7 =	sshra.s32 s16, $0x2;
	[sflag:s28] =	ssyncset.done $0x0  }
0x160: {  	s14 =	sadd.s32 $0x80, s7;
	[sflag:s28] =	ssyncadd.s32 $0xFFFFFF83  }
0x161: {  	[tilespmem:s8], [sflag:$0x2] =	stream.indirect.gather [hbm4b:s5+s25], $0x80, s14, s25, $0xb8;
	[tilespmem:$0x1EB80] =	vst v63  }
0x162: {  	_ =	swait.ge [sflag:s9], $0x3E80  }
0x163: {  	[sflag:s9] =	ssyncset.done $0x0  }
0x164: {  	s16 =	sadd.s32 $0x1400, s7;
	[sflag:s9] =	ssyncadd.s32 $0xFFFFC180  }
0x165: {  	[spmem:s0] =	stream.indirect.scatter.add.f32 [tilespmem:s26], [sflag:$0x3], $0x80, s16, s25, $0xb8;
	[tilespmem:$0x1EB80] =	vst v63  }
0x166: {  	_ =	swait.ge [sflag:s28], $0x3E80  }
0x167: {  	[sflag:s28] =	ssyncset.done $0x0  }
0x168: {  	[sflag:s28] =	ssyncadd.s32 $0xFFFFC180  }
0x169: {  	[spmem:s3] =	stream.indirect.scatter.add.f32 [tilespmem:s29], [sflag:$0x3], $0x1, s16, s25, $0xb8;
	[tilespmem:$0x1EB80] =	vst v63  }
0x16a: {  	_ =	swait.ge [sflag:s28], $0x7D  }
0x16b: {  	[sflag:s28] =	ssyncset.done $0x0  }
0x16c: {  	s17 =	sadd.s32 $0x100, s7;
	[sflag:s28] =	ssyncadd.s32 $0xFFFFFF83  }
0x16d: {  	[tilespmem:s26], [sflag:$0x1] =	stream.indirect.gather [hbm4b:s5+s25], $0x80, s17, s25, $0xb8;
	[tilespmem:$0x1EB80] =	vst v63  }
0x16e: {  	_ =	swait.ge [sflag:s10], $0x3E80  }
0x16f: {  	[sflag:s10] =	ssyncset.done $0x0  }
0x170: {  	s15 =	sadd.s32 $0x1480, s7;
	[sflag:s10] =	ssyncadd.s32 $0xFFFFC180  }
0x171: {  	[spmem:s0] =	stream.indirect.scatter.add.f32 [tilespmem:s8], [sflag:$0x3], $0x80, s15, s25, $0xb8;
	[tilespmem:$0x1EB80] =	vst v63  }
0x172: {  	_ =	swait.ge [sflag:s28], $0x3E80  }
0x173: {  	[sflag:s28] =	ssyncset.done $0x0  }
0x174: {  	[sflag:s28] =	ssyncadd.s32 $0xFFFFC180  }
0x175: {  	[spmem:s3] =	stream.indirect.scatter.add.f32 [tilespmem:s29], [sflag:$0x3], $0x1, s15, s25, $0xb8;
	[tilespmem:$0x1EB80] =	vst v63  }
0x176: {  	_ =	swait.ge [sflag:s28], $0x7D  }
0x177: {  	[sflag:s28] =	ssyncset.done $0x0  }
0x178: {  	[sflag:s28] =	ssyncadd.s32 $0xFFFFFF83  }
0x179: {  	[tilespmem:s8], [sflag:$0x2] =	stream.indirect.gather [hbm4b:s5+s25], $0x80, s11, s25, $0xb8;
	[tilespmem:$0x1EB80] =	vst v63  }
0x17a: {  	_ =	swait.ge [sflag:s9], $0x3E80  }
0x17b: {  	[sflag:s9] =	ssyncset.done $0x0  }
0x17c: {  	[sflag:s9] =	ssyncadd.s32 $0xFFFFC180  }
0x17d: {  	[spmem:s0] =	stream.indirect.scatter.add.f32 [tilespmem:s26], [sflag:$0x3], $0x80, s12, s25, $0xb8;
	[tilespmem:$0x1EB80] =	vst v63  }
0x17e: {  	_ =	swait.ge [sflag:s28], $0x3E80  }
0x17f: {  	[sflag:s28] =	ssyncset.done $0x0  }
0x180: {  	[sflag:s28] =	ssyncadd.s32 $0xFFFFC180  }
0x181: {  	[spmem:s3] =	stream.indirect.scatter.add.f32 [tilespmem:s29], [sflag:$0x3], $0x1, s12, s25, $0xb8;
	[tilespmem:$0x1EB80] =	vst v63  }
0x182: {  	_ =	swait.ge [sflag:s28], $0x7D  }
0x183: {  	[sflag:s28] =	ssyncset.done $0x0  }
0x184: {  	[sflag:s28] =	ssyncadd.s32 $0xFFFFFF83  }
0x185: {  	_ =	swait.ge [sflag:s10], $0x3E80  }
0x186: {  	[sflag:s10] =	ssyncset.done $0x0  }
0x187: {  	[sflag:s10] =	ssyncadd.s32 $0xFFFFC180  }
0x188: {  	[spmem:s0] =	stream.indirect.scatter.add.f32 [tilespmem:s8], [sflag:$0x3], $0x80, s13, s25, $0xb8;
	[tilespmem:$0x1EB80] =	vst v63  }
0x189: {  	_ =	swait.ge [sflag:s28], $0x3E80  }
0x18a: {  	[sflag:s28] =	ssyncset.done $0x0  }
0x18b: {  	[sflag:s28] =	ssyncadd.s32 $0xFFFFC180  }
0x18c: {  	[spmem:s3] =	stream.indirect.scatter.add.f32 [tilespmem:s29], [sflag:$0x3], $0x1, s13, s25, $0xb8;
	[tilespmem:$0x1EB80] =	vst v63  }
0x18d: {  	_ =	swait.ge [sflag:s28], $0x7D  }
0x18e: {  	[sflag:s28] =	ssyncset.done $0x0  }
0x18f: {  	[sflag:s28] =	ssyncadd.s32 $0xFFFFFF83  }
0x190: {  	[bflag:$0x0] =	sbarrier.arrive $0xFFFF  }
0x191: {  	s16 =	rddreg [dreg:$0xa]  }
0x192: {  	[hbm:s16], [sflag:s1] =	dma.local [spmem:s4], $0x2800  }
0x193: {  	s7 =	simm.s32 @!p1 $0x1;
	_ =	swait.ge [sflag:s28], $0x2800  }
0x194: {  	s14 =	simm.s32 @!p1 $0x20;
	s15 =	simm.s32 @!p1 $0x10;
	[sflag:s28] =	ssyncset.done $0x0  }
0x195: {  	s4 =	sshrl.u32 @!p1 s3, $0x3;
	s16 =	rddreg [dreg:$0x1a];
	[sflag:s28] =	ssyncadd.s32 $0xFFFFD800  }
0x196: {  	[hbm:s16@s14], [sflag:s1] =	dma.strided @!p1 [spmem:s4@s15], $0xA0, s7, $0x10   }
0x197: {  	s4 =	simm.s32 @!p1 $0x3  }
0x198: {  	_ =	swait.ge @!p1 [sflag:s4], $0xA0  }
0x199: {  	s17 =	sld [smem:$0x7F6]  }
0x19a: {  	[sflag:s4] =	ssyncset.done @!p1 $0x0  }
0x19b: {  	s16 =	rddreg [dreg:$0x1b];
	[sflag:s4] =	ssyncadd.s32 @!p1 $0xFFFFFF60  }
0x19c: {  	[hbm:s16@s14], [sflag:s1] =	dma.strided @!p1 [spmem:s17@s15], $0xA0, s7, $0x10   }
0x19d: {  	_ =	swait.ge @!p1 [sflag:s4], $0xA0  }
0x19e: {  	[sflag:s4] =	ssyncset.done @!p1 $0x0  }
0x19f: {  	s16 =	rddreg [dreg:$0x1c];
	[sflag:s4] =	ssyncadd.s32 @!p1 $0xFFFFFF60  }
0x1a0: {  	[hbm:s16@s14], [sflag:s1] =	dma.strided @!p1 [spmem:s18@s15], $0xA0, s7, $0x10   }
0x1a1: {  	_ =	swait.ge @!p1 [sflag:s4], $0xA0  }
0x1a2: {  	[sflag:s4] =	ssyncset.done @!p1 $0x0  }
0x1a3: {  	s16 =	rddreg [dreg:$0x1d];
	[sflag:s4] =	ssyncadd.s32 @!p1 $0xFFFFFF60  }
0x1a4: {  	[hbm:s16@s14], [sflag:s1] =	dma.strided @!p1 [spmem:s19@s15], $0xA0, s7, $0x10   }
0x1a5: {  	_ =	swait.ge @!p1 [sflag:s4], $0xA0  }
0x1a6: {  	[sflag:s4] =	ssyncset.done @!p1 $0x0  }
0x1a7: {  	s16 =	rddreg [dreg:$0x1e];
	[sflag:s4] =	ssyncadd.s32 @!p1 $0xFFFFFF60  }
0x1a8: {  	[hbm:s16@s14], [sflag:s1] =	dma.strided @!p1 [spmem:s20@s15], $0xA0, s7, $0x10   }
0x1a9: {  	_ =	swait.ge @!p1 [sflag:s4], $0xA0  }
0x1aa: {  	[sflag:s4] =	ssyncset.done @!p1 $0x0  }
0x1ab: {  	s16 =	rddreg [dreg:$0x1f];
	[sflag:s4] =	ssyncadd.s32 @!p1 $0xFFFFFF60  }
0x1ac: {  	[hbm:s16@s14], [sflag:s1] =	dma.strided @!p1 [spmem:s21@s15], $0xA0, s7, $0x10   }
0x1ad: {  	_ =	swait.ge @!p1 [sflag:s4], $0xA0  }
0x1ae: {  	s16 =	sld [smem:$0x7F4]  }
0x1af: {  	[sflag:s4] =	ssyncset.done @!p1 $0x0  }
0x1b0: {  	[sflag:s4] =	ssyncadd.s32 @!p1 $0xFFFFFF60  }
0x1b1: {  	[hbm:s16@s14], [sflag:s1] =	dma.strided @!p1 [spmem:s22@s15], $0xA0, s7, $0x10   }
0x1b2: {  	_ =	swait.ge @!p1 [sflag:s4], $0xA0  }
0x1b3: {  	s16 =	sld [smem:$0x7F5]  }
0x1b4: {  	[sflag:s4] =	ssyncset.done @!p1 $0x0  }
0x1b5: {  	[sflag:s4] =	ssyncadd.s32 @!p1 $0xFFFFFF60  }
0x1b6: {  	[hbm:s16@s14], [sflag:s1] =	dma.strided @!p1 [spmem:s23@s15], $0xA0, s7, $0x10   }
0x1b7: {  	_ =	swait.ge @!p1 [sflag:s4], $0xA0  }
0x1b8: {  	s31 =	sadd.s32 $0x1, s31;
	s17 =	rddreg [dreg:$0xb]  }
0x1b9: {  	p2 =	sne.s32 s31, s17  }
.Ltmp5:
0x1ba: {  	_ = 	snop;
	(pc) =	sbr.rel @p2 .LBB2_1-.Ltmp5, $3  }
0x1bb: {  	_ =	sdelay $0x1  }
0x1bc: {  	[sflag:s4] =	ssyncset.done @!p1 $0x0  }
0x1bd: {  	[sflag:s4] =	ssyncadd.s32 @!p1 $0xFFFFFF60  }
0x1be: {  	_ =	sfence.sel $0x180000  }
0x1bf: {  	[bflag:$0x0] =	sbarrier.arrive $0xFFFF  }
0x1c0: {  	_ =	strace $0x90000047  }
0x1c1: {  	[bflag:$0x2] =	sbarrier.arrive $0xFFFF  }
0x1c2: {  	s0 =	rddreg [dreg:$0x4]  }
0x1c3: {  	s0 =	sadd.s32 @!p1 $0x100000, s0  }
0x1c4: {  	[sflag:s0] =	ssyncadd.tile.s32 @!p1 $0x1;
	_ =	shalt  }
.Lfunc_end2:
_tile_overlayer_lowered:
.L_overlay_start_2:
0x1c5: {  	(tag) =	ssettag $0x2  }
0x1c6: {  	s0 =	rddreg [dreg:$0x0];
	s2 =	stileid.u32  }
0x1c7: {  	s1 =	rddreg [dreg:$0x1];
	p0 =	sne.s32 s2, $0x0  }
0x1c8: {  	s3 =	rddreg [dreg:$0x2];
	[bflag:$0x3] =	sbarrier.arrive $0xFFFF;
	s2 =	simm.s32 @!p0 $0x1C03  }
0x1c9: {  	[timem:s3], [sflag:s2] =	dma.local @!p0 [hbm:s0], s1  }
0x1ca: {  	s0 =	simm.s32 @!p0 $0x3  }
0x1cb: {  	_ =	swait.ge @!p0 [sflag:s0], s1  }
0x1cc: {  	s1 =	ssub.s32 @!p0 $0x0, s1;
	[sflag:s0] =	ssyncset.done @!p0 $0x0  }
0x1cd: {  	[sflag:s0] =	ssyncadd.s32 @!p0 s1  }
0x1ce: {  	[bflag:$0x3] =	sbarrier.arrive $0xFFFF  }
0x1cf: {  	_ =	shalt  }

// kernel: kernel.9.cloned.1.call-start
scs
__scs_entry_jumppad:
0x0: {  	(pc) =	sbr.rel $0x88, $3  }
0x1: {  	(tag) =	ssettag $0x0;
	lr =	simm.s32 $0x1  }
0x2: {  	[smem:$0x3F9B] =	sst lr;
	_ =	strace $0xD0000000  }
0x3: {  	_ = 	snop  }
0x4: {  	_ = 	snop  }
0x5: {  	_ = 	snop  }
0x6: {  	_ = 	snop  }
0x7: {  	_ = 	snop  }
__scs_overlays_trampoline_lowered:
0x8: {  	[smem:$0x3FAA] =	sst s0  }
0x9: {  	[smem:$0x3FAB] =	sst s1  }
0xa: {  	[smem:$0x3FAC] =	sst s2  }
0xb: {  	[smem:$0x3FAD] =	sst s3  }
0xc: {  	[smem:$0x3FAE] =	sst s4  }
0xd: {  	[smem:$0x3FAF] =	sst s5  }
0xe: {  	[smem:$0x3FB0] =	sst s6  }
0xf: {  	[smem:$0x3FB1] =	sst s7  }
0x10: {  	[smem:$0x3FB2] =	sst s8  }
0x11: {  	[smem:$0x3FB3] =	sst s9;
	s0 =	simm.s32 @!p0 $0x0  }
0x12: {  	s1 =	sld [smem:$0x3F99];
	s0 =	simm.s32 @p0 $0x1  }
0x13: {  	[smem:$0x3FB4] =	sst s0;
	s0 =	simm.s32 @!p1 $0x0  }
0x14: {  	s2 =	sld [smem:$0x3F98];
	s0 =	simm.s32 @p1 $0x1  }
0x15: {  	[smem:$0x3FB5] =	sst s0;
	s0 =	simm.s32 @!p2 $0x0  }
0x16: {  	s3 =	sld [smem:$0x3FDB];
	s0 =	simm.s32 @p2 $0x1  }
0x17: {  	s4 =	simm.s32 $0x1BF5;
	[smem:$0x3FB7] =	sst s0  }
0x18: {  	s0 =	sld [smem:$0x3F9A];
	_ =	swait.ge [sflag:s4], $0x0  }
0x19: {  	s7 =	sld [smem:$0x3F9B]  }
0x1a: {  	s8 =	sadd.s32 $0xFFFFE003, lr  }
0x1b: {  	s9 =	sadd.s32 $0xFFFFFEF7, lr;
	s5 =	simm.s32 $0xFFFFFFFF;
	p2 =	slt.u32 s8, $0xFFFFF086  }
0x1c: {  	p1 =	slt.u32 s9, $0xF7A;
	s5 =	simm.s32 @!p2 $0x0  }
0x1d: {  	s5 =	simm.s32 @p1 $0x1;
	p0 =	seq.s32 s7, s2  }
0x1e: {  	s7 =	smul.u32 @!p0 $0xF7A, s2;
	p2 =	seq.s32 @!p0 s5, $0x0  }
0x1f: {  	s9 =	smul.u32 $0xF7A, s1;
	s8 =	simm.s32 @!p0 $0x1BF5;
	p2 =	por !p2, p0  }
0x20: {  	[sflag:s8] =	ssyncset.s32 @!p0 $0xFFFFF086;
	s6 =	sadd.s32 @!p0 s3, s7;
	s7 =	simm.s32 @!p0 $0x108  }
0x21: {  	s3 =	sadd.s32 s3, s9;
	s6 =	sadd.s32 @!p0 $0x88, s6;
	s7 =	simm.s32 @p2 $0x1082  }
0x22: {  	[simem:s7], [sflag:s8] =	dma.local @!p0 [hbm:s6], $0xF7A  }
0x23: {  	s9 =	sor.u32 $0xD0000000, s2;
	s6 =	simm.s32 $0x108;
	_ =	swait.ge @!p0 [sflag:s8], $0x0  }
0x24: {  	s3 =	sadd.s32 $0x88, s3;
	s6 =	simm.s32 @!p1 $0x1082;
	[sflag:s4] =	ssyncset.s32 $0xFFFFF086  }
0x25: {  	[simem:s6], [sflag:s4] =	dma.local [hbm:s3], $0xF7A  }
0x26: {  	[smem:$0x3F9B] =	sst s1;
	(tag) =	ssettag s2;
	_ =	strace s9  }
0x27: {  	s1 =	sld [smem:$0x3FAB]  }
0x28: {  	s2 =	sld [smem:$0x3FAC]  }
0x29: {  	s4 =	sld [smem:$0x3FAE]  }
0x2a: {  	p0 =	seq.s32 s5, $0x0;
	s5 =	sld [smem:$0x3FAF]  }
0x2b: {  	s6 =	sld [smem:$0x3FB0]  }
0x2c: {  	s7 =	sld [smem:$0x3FB1]  }
0x2d: {  	s3 =	simm.s32 $0x108;
	s8 =	sld [smem:$0x3FB2]  }
0x2e: {  	s3 =	simm.s32 @!p0 $0x1082;
	s9 =	sld [smem:$0x3FB3]  }
0x2f: {  	lr =	sadd.s32 s0, s3;
	s0 =	sld [smem:$0x3FAA]  }
0x30: {  	s3 =	sld [smem:$0x3FAD]  }
0x31: {  	[smem:$0x3FB6] =	sst s10  }
0x32: {  	s10 =	sld [smem:$0x3FB4];
	_ =	sdelay $0x3  }
0x33: {  	p0 =	seq.s32 s10, $0x1;
	s10 =	sld [smem:$0x3FB6];
	_ =	sdelay $0x3  }
0x34: {  	[smem:$0x3FB6] =	sst s10  }
0x35: {  	s10 =	sld [smem:$0x3FB5];
	_ =	sdelay $0x3  }
0x36: {  	p1 =	seq.s32 s10, $0x1;
	s10 =	sld [smem:$0x3FB6];
	_ =	sdelay $0x3  }
0x37: {  	[smem:$0x3FB6] =	sst s10  }
0x38: {  	s10 =	sld [smem:$0x3FB7]  }
0x39: {  	_ = 	snop;
	(pc) =	sbr.ind lr, $3  }
0x3a: {  	_ = 	snop  }
0x3b: {  	_ = 	snop  }
0x3c: {  	p2 =	seq.s32 s10, $0x1;
	s10 =	sld [smem:$0x3FB6]  }
0x3d: {  	_ =	shalt  }
0x3e: {  	_ =	shalt  }
0x3f: {  	_ =	shalt  }
0x40: {  	_ =	shalt  }
0x41: {  	_ =	shalt  }
0x42: {  	_ =	shalt  }
0x43: {  	_ =	shalt  }
0x44: {  	_ =	shalt  }
0x45: {  	_ =	shalt  }
0x46: {  	_ =	shalt  }
0x47: {  	_ =	shalt  }
0x48: {  	_ =	shalt  }
0x49: {  	_ =	shalt  }
0x4a: {  	_ =	shalt  }
0x4b: {  	_ =	shalt  }
0x4c: {  	_ =	shalt  }
0x4d: {  	_ =	shalt  }
0x4e: {  	_ =	shalt  }
0x4f: {  	_ =	shalt  }
0x50: {  	_ =	shalt  }
0x51: {  	_ =	shalt  }
0x52: {  	_ =	shalt  }
0x53: {  	_ =	shalt  }
0x54: {  	_ =	shalt  }
0x55: {  	_ =	shalt  }
0x56: {  	_ =	shalt  }
0x57: {  	_ =	shalt  }
0x58: {  	_ =	shalt  }
0x59: {  	_ =	shalt  }
0x5a: {  	_ =	shalt  }
0x5b: {  	_ =	shalt  }
0x5c: {  	_ =	shalt  }
0x5d: {  	_ =	shalt  }
0x5e: {  	_ =	shalt  }
0x5f: {  	_ =	shalt  }
0x60: {  	_ =	shalt  }
0x61: {  	_ =	shalt  }
0x62: {  	_ =	shalt  }
0x63: {  	_ =	shalt  }
0x64: {  	_ =	shalt  }
0x65: {  	_ =	shalt  }
0x66: {  	_ =	shalt  }
0x67: {  	_ =	shalt  }
0x68: {  	_ =	shalt  }
0x69: {  	_ =	shalt  }
0x6a: {  	_ =	shalt  }
0x6b: {  	_ =	shalt  }
0x6c: {  	_ =	shalt  }
0x6d: {  	_ =	shalt  }
0x6e: {  	_ =	shalt  }
0x6f: {  	_ =	shalt  }
0x70: {  	_ =	shalt  }
0x71: {  	_ =	shalt  }
0x72: {  	_ =	shalt  }
0x73: {  	_ =	shalt  }
0x74: {  	_ =	shalt  }
0x75: {  	_ =	shalt  }
0x76: {  	_ =	shalt  }
0x77: {  	_ =	shalt  }
0x78: {  	_ =	shalt  }
0x79: {  	_ =	shalt  }
0x7a: {  	_ =	shalt  }
0x7b: {  	_ =	shalt  }
0x7c: {  	_ =	shalt  }
0x7d: {  	_ =	shalt  }
0x7e: {  	_ =	shalt  }
0x7f: {  	_ =	shalt  }
0x80: {  	_ =	shalt  }
0x81: {  	_ =	shalt  }
0x82: {  	_ =	shalt  }
0x83: {  	_ =	shalt  }
0x84: {  	_ =	shalt  }
0x85: {  	_ =	shalt  }
0x86: {  	_ =	shalt  }
0x87: {  	_ =	shalt  }
.Lfunc_end0:
.L_simem_size_0:
called_computation.1_lowered:
.L_overlay_start_0:
0x88: {  	s2 =	sld [smem:$0x3FD9]  }
0x89: {  	s3 =	sld [smem:$0x3FFE];
	_ =	sdelay $0x1  }
0x8a: {  	s1 =	srdreg.scid  }
0x8b: {  	s0 =	sand.u32 $0x1, s1  }
0x8c: {  	s17 =	sshll.u32 s0, $0xA;
	s2 =	sadd.s32 s3, s2  }
0x8d: {  	s2 =	sadd.s32 s2, s17  }
0x8e: {  	[smem:$0x3FC2] =	sst s2  }
0x8f: {  	_ = 	snop  }
0x90: {  	s2 =	sld [smem:$0x3FD0];
	(tm) =	ssettm $0x1  }
0x91: {  	s18 =	sld [smem:$0x3FFB];
	_ =	sdelay $0x3  }
0x92: {  	_ =	strace s18  }
0x93: {  	s3 =	sld [smem:$0x3FFC];
	_ =	sdelay $0x3  }
0x94: {  	_ =	strace s3  }
0x95: {  	s3 =	sld [smem:$0x3FFD];
	_ =	sdelay $0x3  }
0x96: {  	_ =	strace s3  }
0x97: {  	_ =	strace $0x8FFFFFFF  }
0x98: {  	s19 =	sld [smem:$0x3FDB];
	_ =	sdelay $0x1  }
0x99: {  	s4 =	simm.s32 $_scs_section_size  }
0x9a: {  	s5 =	simm.s32 $_size__tile_overlayer_lowered;
	s6 =	simm.s32 $_tile_overlayer_lowered  }
0x9b: {  	s22 =	simm.s32 $0x1BFF;
	s21 =	sshll.u32 s6, $0x1;
	s3 =	sadd.s32 s4, s19  }
0x9c: {  	s7 =	simm.s32 $0x0;
	s20 =	sshll.u32 s5, $0x1;
	s5 =	sadd.s32 s21, s3  }
0x9d: {  	[timem:s7], [sflag:s22] =	dma.local [hbm:s5], s20  }
0x9e: {  	_ =	swait.ge [sflag:s22], s20  }
0x9f: {  	s4 =	ssub.s32 $0x0, s20;
	[sflag:s22] =	ssyncset.done $0x0  }
0xa0: {  	[sflag:s22] =	ssyncadd.s32 s4;
	_ =	sdelay $0x1  }
0xa1: {  	s23 =	simm.s32 $0x1B8B  }
0xa2: {  	_ =	swait.ge [sflag:s23], $0x1  }
0xa3: {  	[sflag:s23] =	ssyncset.done $0x0  }
0xa4: {  	s25 =	simm.s32 $0x1B8E;
	s24 =	sld [smem:$0x3FFE];
	[sflag:s23] =	ssyncadd.s32 $0xFFFFFFFF  }
0xa5: {  	s26 =	simm.s32 $execute0_lowered;
	[smem:$0x3FD2] =	sst s25  }
0xa6: {  	s5 =	sshll.u32 s26, $0x1;
	_ =	strace $0x80000049;
	[dreg:$0x1] =	wrdreg $0xFFFFFFFF  }
0xa7: {  	s28 =	simm.s32 $_size_execute0_lowered;
	s3 =	sadd.s32 s3, s5;
	[dreg:$0x0] =	wrdreg $0x0  }
0xa8: {  	s5 =	sshll.u32 s28, $0x1;
	[dreg:$0x2] =	wrdreg s3  }
0xa9: {  	[dreg:$0x3] =	wrdreg s5  }
0xaa: {  	[dreg:$0x4] =	wrdreg $0xC0  }
0xab: {  	_ =	task [dreg:s7], $0x5FFFF  }
0xac: {  	[dreg:$0x1] =	wrdreg $0xFFFFFFFF  }
0xad: {  	[dreg:$0x0] =	wrdreg $0x60  }
0xae: {  	[dreg:$0x2] =	wrdreg s24  }
0xaf: {  	[dreg:$0x3] =	wrdreg s2  }
0xb0: {  	[dreg:$0x4] =	wrdreg $0xA9000  }
0xb1: {  	[dreg:$0x5] =	wrdreg $0x9  }
0xb2: {  	_ =	task.clear_ibuf [dreg:s7], $0x6FFFF;
	_ =	strace $0x90000049  }
0xb3: {  	s29 =	simm.s32 $0x9;
	_ =	strace $0x8000004B  }
0xb4: {  	_ =	swait.ge [sflag:s29], $0x1  }
0xb5: {  	[sflag:s29] =	ssyncadd.s32 $0xFFFFFFFF  }
0xb6: {  	_ =	strace $0x9000004B  }
0xb7: {  	_ =	sfence  }
0xb8: {  	s30 =	sld [smem:$0x0];
	_ =	sdelay $0x2  }
0xb9: {  	s31 =	sshll.u32 s1, $0xD;
	s1 =	sshrl.u32 s1, $0x2  }
0xba: {  	s3 =	sand.u32 $0x4000, s31;
	s1 =	sadd.s32 s1, s30  }
0xbb: {  	s0 =	sor.u32 s3, s0;
	s1 =	sshll.u32 s1, $0x11  }
0xbc: {  	s0 =	sor.u32 s1, s0  }
0xbd: {  	s0 =	sadd.s32 $0x8F2B, s0  }
0xbe: {  	[sflag:s0] =	ssyncadd.remote.s32 $0x1  }
0xbf: {  	_ =	sfence.sel $0xFFFF  }
0xc0: {  	[dreg:$0x0] =	wrdreg $0xFFFFFFFF;
	(pc) =	sbr.abs _section_cstart, $3  }
0xc1: {  	[dreg:$0x1] =	wrdreg $0xFFFFFFFF  }
0xc2: {  	_ =	task.clear_ibuf [dreg:s7], $0x2FFFF;
	_ =	strace $0x9FFFFFFF  }
0xc3: {  	(tm) =	ssettm $0x7FFFFFFF  }
tec
execute0_lowered:
.L_overlay_start_1:
0x0: {  	(tag) =	ssettag $0x1  }
0x1: {  	s0 =	rddreg [dreg:$0x0]  }
0x2: {  	s2 =	rddreg [dreg:$0x1]  }
0x3: {  	s1 =	rddreg [dreg:$0x2];
	s3 =	srdreg.scid  }
0x4: {  	s4 =	simm.s32 $0x0;
	s13 =	stileid.u32;
	s28 =	simm.s32 $0x1  }
0x5: {  	s29 =	simm.s32 $0x2;
	s30 =	simm.s32 $0x1380;
	s6 =	smul.u32 $0x14000, s13  }
0x6: {  	s31 =	simm.s32 $0x2700;
	s3 =	sand.u32 $0x1, s3;
	s7 =	smul.u32 $0x50000, s13  }
0x7: {  	[smem:$0x7FF] =	sst s4;
	s4 =	sadd.s32 $0xB800, s0;
	s9 =	smul.u32 $0x2800, s13  }
0x8: {  	s10 =	sadd.s32 $0x1800, s0;
	s26 =	sshll.u32 s13, $0x6;
	s5 =	smul.u32 $0x140000, s3  }
0x9: {  	_ =	strace $0x8000004A;
	s20 =	sshll.u32 s3, $0x4;
	s21 =	ssub.s32 $0x2, s3  }
0xa: {  	p0 =	sne.s32 s3, $0x0;
	s8 =	sshrl.u32 s21, $0x1;
	s7 =	sshrl.u32 s7, $0x2  }
0xb: {  	s22 =	sadd.s32 s4, s9;
	s5 =	sadd.s32 s6, s5;
	s6 =	sor.u32 s13, s20  }
0xc: {  	s12 =	ssub.s32 s21, s8;
	[dreg:$0x4] =	wrdreg s22;
	s20 =	sor.u32 $0x1C03, s26  }
0xd: {  	s22 =	simm.s32 $0x3;
	s5 =	sshrl.u32 s5, $0x3;
	s6 =	smul.u32 $0x2800, s6  }
0xe: {  	s26 =	simm.s32 $0x6800;
	s0 =	sadd.s32 s5, s0;
	s5 =	sadd.s32 s7, s1  }
0xf: {  	s12 =	smax.u32 s12, $0x1;
	s6 =	sshrl.u32 s6, $0x3;
	s23 =	sadd.s32 $0x2800, s5  }
0x10: {  	s24 =	sadd.s32 $0x5000, s5;
	s25 =	sadd.s32 $0x7800, s5;
	s16 =	sadd.s32 $0xA000, s5  }
0x11: {  	s17 =	sadd.s32 $0xC800, s5;
	s18 =	sadd.s32 $0xF000, s5;
	s19 =	sadd.s32 $0x11800, s5  }
0x12: {  	s21 =	sshrl.u32 s5, $0x3;
	s7 =	sadd.s32 s2, s6;
	[dreg:$0x5] =	wrdreg s23  }
0x13: {  	s11 =	sadd.s32 $0x280, s6;
	s8 =	sadd.s32 s10, s6;
	[dreg:$0x6] =	wrdreg s24  }
0x14: {  	[dreg:$0x7] =	wrdreg s25;
	s23 =	simm.s32 $0x1400;
	s24 =	simm.s32 $0x7D  }
0x15: {  	s25 =	simm.s32 $0x2800;
	s9 =	sadd.s32 s2, s11;
	s10 =	sadd.s32 s10, s11  }
0x16: {  	v0 =	vimm.f32 $1.000000000e+00;
	v1 =	vimm.f32 $0.0e+00;
	s11 =	sadd.s32 $0x33800, s0;
	s0 =	simm.s32 $0x2780;
	s2 =	simm.s32 $0x0  }
.LBB2_1:
0x17: {  	[tilespmem:$0xA800] =	vst v0  }
0x18: {  	[tilespmem:$0xA880] =	vst v1  }
0x19: {  	[tilespmem:$0xA810] =	vst v0  }
0x1a: {  	[tilespmem:$0xA890] =	vst v1  }
0x1b: {  	[tilespmem:$0xA820] =	vst v0  }
0x1c: {  	[tilespmem:$0xA8A0] =	vst v1  }
0x1d: {  	[tilespmem:$0xA830] =	vst v0  }
0x1e: {  	[tilespmem:$0xA8B0] =	vst v1  }
0x1f: {  	[tilespmem:$0xA840] =	vst v0  }
0x20: {  	[tilespmem:$0xA8C0] =	vst v1  }
0x21: {  	[tilespmem:$0xA850] =	vst v0  }
.Ltmp0:
0x22: {  	[tilespmem:$0xA8D0] =	vst v1;
	(pc) =	sbr.rel @p0 .LBB2_3-.Ltmp0, $4  }
0x23: {  	[tilespmem:$0xA860] =	vst v0  }
0x24: {  	[tilespmem:$0xA8E0] =	vst v1  }
0x25: {  	[tilespmem:$0xA870] =	vst v0  }
0x26: {  	[tilespmem:$0xA8F0] =	vst v1  }
.Ltmp1:
0x27: {  	(pc) =	sbr.rel .LBB2_6-.Ltmp1, $3  }
0x28: {  	_ =	sdelay $0x1  }
0x29: {  	s3 =	rddreg [dreg:$0x4]  }
0x2a: {  	[spmem:s21], [sflag:s20] =	dma.local [hbm:s3], $0x2800  }
.LBB2_3:
0x2b: {  	s6 =	simm.s32 $0x0  }
0x2c: {  	s3 =	sand.u32 $0xFE00, s6  }
0x2d: {  	s6 =	sand.u32 $0x70, s6;
	s13 =	sshrl.u32 s3, $0x2  }
0x2e: {  	s3 =	simm.s32 $0x40;
	s13 =	sor.u32 s6, s13;
	s6 =	simm.s32 $0x0  }
.LBB2_4:
0x2f: {  	p1 =	seq.s32 s3, $0x9FC0  }
0x30: {  	[tilespmem:s13+$0x2800] =	vst v1;
	s6 =	sadd.s32 $0x10, s6;
	s13 =	smov.u32 s3;
	s3 =	sadd.s32 $0x40, s3  }
.Ltmp2:
0x31: {  	(pc) =	sbr.rel @!p1 .LBB2_4-.Ltmp2, $4  }
0x32: {  	_ = 	snop  }
0x33: {  	s13 =	sand.u32 $0xFE00, s13  }
0x34: {  	s14 =	sand.u32 $0x70, s6;
	s13 =	sshrl.u32 s13, $0x2  }
0x35: {  	s13 =	sor.u32 s14, s13  }
0x36: {  	[tilespmem:s13+$0x2800] =	vst v1  }
0x37: {  	[spmem:s5] =	stream.linear.scatter [tilespmem:s25], [sflag:$0x3], $0x2800, $0x38;
	[tilespmem:$0x1E900] =	vst v63  }
0x38: {  	_ =	swait.ge [sflag:s22], $0x2800  }
0x39: {  	[sflag:s22] =	ssyncset.done $0x0  }
0x3a: {  	s3 =	rddreg [dreg:$0x5];
	[sflag:s22] =	ssyncadd.s32 $0xFFFFD800  }
0x3b: {  	[spmem:s3] =	stream.linear.scatter [tilespmem:s25], [sflag:$0x3], $0x2800, $0x38;
	[tilespmem:$0x1E900] =	vst v63  }
0x3c: {  	_ =	swait.ge [sflag:s22], $0x2800  }
0x3d: {  	[sflag:s22] =	ssyncset.done $0x0  }
0x3e: {  	s14 =	rddreg [dreg:$0x6];
	[sflag:s22] =	ssyncadd.s32 $0xFFFFD800  }
0x3f: {  	[spmem:s14] =	stream.linear.scatter [tilespmem:s25], [sflag:$0x3], $0x2800, $0x38;
	[tilespmem:$0x1E900] =	vst v63  }
0x40: {  	_ =	swait.ge [sflag:s22], $0x2800  }
0x41: {  	[sflag:s22] =	ssyncset.done $0x0  }
0x42: {  	s15 =	rddreg [dreg:$0x7];
	[sflag:s22] =	ssyncadd.s32 $0xFFFFD800  }
0x43: {  	[spmem:s15] =	stream.linear.scatter [tilespmem:s25], [sflag:$0x3], $0x2800, $0x38;
	[tilespmem:$0x1E900] =	vst v63  }
0x44: {  	_ =	swait.ge [sflag:s22], $0x2800  }
0x45: {  	[sflag:s22] =	ssyncset.done $0x0  }
0x46: {  	[sflag:s22] =	ssyncadd.s32 $0xFFFFD800  }
0x47: {  	[spmem:s16] =	stream.linear.scatter [tilespmem:s25], [sflag:$0x3], $0x2800, $0x38;
	[tilespmem:$0x1E900] =	vst v63  }
0x48: {  	_ =	swait.ge [sflag:s22], $0x2800  }
0x49: {  	[sflag:s22] =	ssyncset.done $0x0  }
0x4a: {  	[sflag:s22] =	ssyncadd.s32 $0xFFFFD800  }
0x4b: {  	[spmem:s17] =	stream.linear.scatter [tilespmem:s25], [sflag:$0x3], $0x2800, $0x38;
	[tilespmem:$0x1E900] =	vst v63  }
0x4c: {  	_ =	swait.ge [sflag:s22], $0x2800  }
0x4d: {  	[sflag:s22] =	ssyncset.done $0x0  }
0x4e: {  	[sflag:s22] =	ssyncadd.s32 $0xFFFFD800  }
0x4f: {  	[spmem:s18] =	stream.linear.scatter [tilespmem:s25], [sflag:$0x3], $0x2800, $0x38;
	[tilespmem:$0x1E900] =	vst v63  }
0x50: {  	_ =	swait.ge [sflag:s22], $0x2800  }
0x51: {  	[sflag:s22] =	ssyncset.done $0x0  }
0x52: {  	[sflag:s22] =	ssyncadd.s32 $0xFFFFD800  }
0x53: {  	[spmem:s19] =	stream.linear.scatter [tilespmem:s25], [sflag:$0x3], $0x2800, $0x38;
	[tilespmem:$0x1E900] =	vst v63  }
.LBB2_6:
0x54: {  	_ =	swait.ge [sflag:s22], $0x2800  }
0x55: {  	[sflag:s22] =	ssyncset.done $0x0  }
0x56: {  	[sflag:s22] =	ssyncadd.s32 $0xFFFFD800  }
0x57: {  	s3 =	simm.s32 $0x0;
	[bflag:$0x0] =	sbarrier.arrive $0xFFFF  }
0x58: {  	[tilespmem:s3], [sflag:$0x3] =	stream.linear.gather [hbm4b:s7+s3], $0x1400, $0x38;
	[tilespmem:$0x1E900] =	vst v63  }
0x59: {  	_ =	swait.ge [sflag:s22], $0x1400  }
0x5a: {  	[sflag:s22] =	ssyncset.done $0x0  }
0x5b: {  	[sflag:s22] =	ssyncadd.s32 $0xFFFFEC00  }
0x5c: {  	[tilespmem:s23], [sflag:$0x3] =	stream.linear.gather [hbm4b:s8+s3], $0x1400, $0x38;
	[tilespmem:$0x1E900] =	vst v63  }
0x5d: {  	_ =	swait.ge [sflag:s22], $0x1400  }
0x5e: {  	[sflag:s22] =	ssyncset.done $0x0  }
0x5f: {  	[sflag:s22] =	ssyncadd.s32 $0xFFFFEC00  }
0x60: {  	[tilespmem:s25], [sflag:$0x1] =	stream.indirect.gather [hbm4b:s4+s24], $0x80, s3, s24, $0xb8;
	[tilespmem:$0x1E900] =	vst v63  }
0x61: {  	s6 =	simm.s32 $0x80  }
0x62: {  	[tilespmem:s26], [sflag:$0x2] =	stream.indirect.gather [hbm4b:s4+s24], $0x80, s6, s24, $0xb8;
	[tilespmem:$0x1E900] =	vst v63  }
0x63: {  	_ =	swait.ge [sflag:s28], $0x3E80  }
0x64: {  	[sflag:s28] =	ssyncset.done $0x0  }
0x65: {  	s13 =	simm.s32 $0x1400;
	[sflag:s28] =	ssyncadd.s32 $0xFFFFC180  }
0x66: {  	[spmem:s1] =	stream.indirect.scatter.add.f32 [tilespmem:s25], [sflag:$0x3], $0x80, s13, s24, $0xb8;
	[tilespmem:$0x1E900] =	vst v63  }
0x67: {  	_ =	swait.ge [sflag:s22], $0x3E80  }
0x68: {  	[sflag:s22] =	ssyncset.done $0x0  }
0x69: {  	s14 =	simm.s32 $0x100;
	[sflag:s22] =	ssyncadd.s32 $0xFFFFC180  }
0x6a: {  	[tilespmem:s25], [sflag:$0x1] =	stream.indirect.gather [hbm4b:s4+s24], $0x80, s14, s24, $0xb8;
	[tilespmem:$0x1E900] =	vst v63  }
0x6b: {  	_ =	swait.ge [sflag:s29], $0x3E80  }
0x6c: {  	[sflag:s29] =	ssyncset.done $0x0  }
0x6d: {  	s15 =	simm.s32 $0x1480;
	[sflag:s29] =	ssyncadd.s32 $0xFFFFC180  }
0x6e: {  	[spmem:s1] =	stream.indirect.scatter.add.f32 [tilespmem:s26], [sflag:$0x3], $0x80, s15, s24, $0xb8;
	[tilespmem:$0x1E900] =	vst v63  }
0x6f: {  	_ =	swait.ge [sflag:s22], $0x3E80  }
0x70: {  	s3 =	simm.s32 $0x100;
	s6 =	simm.s32 $0x800;
	[sflag:s22] =	ssyncset.done $0x0  }
.LBB2_7:
0x71: {  	s13 =	sadd.s32 $0x80, s3  }
0x72: {  	[sflag:s22] =	ssyncadd.s32 $0xFFFFC180;
	s14 =	smov.u32 s6;
	s15 =	sadd.s32 $0x400, s6  }
0x73: {  	[tilespmem:s26], [sflag:$0x2] =	stream.indirect.gather [hbm4b:s4+s24], $0x80, s13, s24, $0xb8;
	[tilespmem:$0x1E900] =	vst v63  }
0x74: {  	p1 =	sne.s32 s6, $0x4800;
	_ =	swait.ge [sflag:s28], $0x3E80  }
0x75: {  	[sflag:s28] =	ssyncset.done $0x0  }
0x76: {  	s6 =	sadd.s32 $0x1400, s3;
	[sflag:s28] =	ssyncadd.s32 $0xFFFFC180  }
0x77: {  	[spmem:s1] =	stream.indirect.scatter.add.f32 [tilespmem:s25], [sflag:$0x3], $0x80, s6, s24, $0xb8;
	[tilespmem:$0x1E900] =	vst v63  }
0x78: {  	_ =	swait.ge [sflag:s22], $0x3E80  }
0x79: {  	[sflag:s22] =	ssyncset.done $0x0  }
0x7a: {  	s6 =	sadd.s32 $0x100, s3;
	[sflag:s22] =	ssyncadd.s32 $0xFFFFC180  }
0x7b: {  	[tilespmem:s25], [sflag:$0x1] =	stream.indirect.gather [hbm4b:s4+s24], $0x80, s6, s24, $0xb8;
	[tilespmem:$0x1E900] =	vst v63  }
0x7c: {  	_ =	swait.ge [sflag:s29], $0x3E80  }
.Ltmp3:
0x7d: {  	[sflag:s29] =	ssyncset.done $0x0;
	(pc) =	sbr.rel @p1 .LBB2_7-.Ltmp3, $4  }
0x7e: {  	s3 =	sadd.s32 $0x1480, s3;
	[sflag:s29] =	ssyncadd.s32 $0xFFFFC180  }
0x7f: {  	[spmem:s1] =	stream.indirect.scatter.add.f32 [tilespmem:s26], [sflag:$0x3], $0x80, s3, s24, $0xb8;
	[tilespmem:$0x1E900] =	vst v63  }
0x80: {  	_ =	swait.ge [sflag:s22], $0x3E80  }
0x81: {  	s6 =	smov.u32 s15;
	s3 =	sshra.s32 s14, $0x2;
	[sflag:s22] =	ssyncset.done $0x0  }
0x82: {  	s6 =	sadd.s32 $0x80, s3;
	[sflag:s22] =	ssyncadd.s32 $0xFFFFC180  }
0x83: {  	[tilespmem:s26], [sflag:$0x2] =	stream.indirect.gather [hbm4b:s4+s24], $0x80, s6, s24, $0xb8;
	[tilespmem:$0x1E900] =	vst v63  }
0x84: {  	_ =	swait.ge [sflag:s28], $0x3E80  }
0x85: {  	[sflag:s28] =	ssyncset.done $0x0  }
0x86: {  	s15 =	sadd.s32 $0x1400, s3;
	[sflag:s28] =	ssyncadd.s32 $0xFFFFC180  }
0x87: {  	[spmem:s1] =	stream.indirect.scatter.add.f32 [tilespmem:s25], [sflag:$0x3], $0x80, s15, s24, $0xb8;
	[tilespmem:$0x1E900] =	vst v63  }
0x88: {  	_ =	swait.ge [sflag:s22], $0x3E80  }
0x89: {  	[sflag:s22] =	ssyncset.done $0x0  }
0x8a: {  	s13 =	sadd.s32 $0x100, s3;
	[sflag:s22] =	ssyncadd.s32 $0xFFFFC180  }
0x8b: {  	[tilespmem:s25], [sflag:$0x1] =	stream.indirect.gather [hbm4b:s4+s24], $0x80, s13, s24, $0xb8;
	[tilespmem:$0x1E900] =	vst v63  }
0x8c: {  	_ =	swait.ge [sflag:s29], $0x3E80  }
0x8d: {  	[sflag:s29] =	ssyncset.done $0x0  }
0x8e: {  	s14 =	sadd.s32 $0x1480, s3;
	[sflag:s29] =	ssyncadd.s32 $0xFFFFC180  }
0x8f: {  	[spmem:s1] =	stream.indirect.scatter.add.f32 [tilespmem:s26], [sflag:$0x3], $0x80, s14, s24, $0xb8;
	[tilespmem:$0x1E900] =	vst v63  }
0x90: {  	_ =	swait.ge [sflag:s22], $0x3E80  }
0x91: {  	[sflag:s22] =	ssyncset.done $0x0  }
0x92: {  	[sflag:s22] =	ssyncadd.s32 $0xFFFFC180  }
0x93: {  	[tilespmem:s26], [sflag:$0x2] =	stream.indirect.gather [hbm4b:s4+s24], $0x80, s30, s24, $0xb8;
	[tilespmem:$0x1E900] =	vst v63  }
0x94: {  	_ =	swait.ge [sflag:s28], $0x3E80  }
0x95: {  	[sflag:s28] =	ssyncset.done $0x0  }
0x96: {  	[sflag:s28] =	ssyncadd.s32 $0xFFFFC180  }
0x97: {  	[spmem:s1] =	stream.indirect.scatter.add.f32 [tilespmem:s25], [sflag:$0x3], $0x80, s31, s24, $0xb8;
	[tilespmem:$0x1E900] =	vst v63  }
0x98: {  	_ =	swait.ge [sflag:s22], $0x3E80  }
0x99: {  	[sflag:s22] =	ssyncset.done $0x0  }
0x9a: {  	[sflag:s22] =	ssyncadd.s32 $0xFFFFC180  }
0x9b: {  	_ =	swait.ge [sflag:s29], $0x3E80  }
0x9c: {  	[sflag:s29] =	ssyncset.done $0x0  }
0x9d: {  	[sflag:s29] =	ssyncadd.s32 $0xFFFFC180  }
0x9e: {  	[spmem:s1] =	stream.indirect.scatter.add.f32 [tilespmem:s26], [sflag:$0x3], $0x80, s0, s24, $0xb8;
	[tilespmem:$0x1E900] =	vst v63  }
0x9f: {  	_ =	swait.ge [sflag:s22], $0x3E80  }
0xa0: {  	[sflag:s22] =	ssyncset.done $0x0  }
0xa1: {  	s15 =	simm.s32 $0x0;
	[sflag:s22] =	ssyncadd.s32 $0xFFFFC180  }
0xa2: {  	[tilespmem:s15], [sflag:$0x3] =	stream.linear.gather [hbm4b:s9+s15], $0x1400, $0x38;
	[tilespmem:$0x1E900] =	vst v63  }
0xa3: {  	_ =	swait.ge [sflag:s22], $0x1400  }
0xa4: {  	[sflag:s22] =	ssyncset.done $0x0  }
0xa5: {  	[sflag:s22] =	ssyncadd.s32 $0xFFFFEC00  }
0xa6: {  	[tilespmem:s23], [sflag:$0x3] =	stream.linear.gather [hbm4b:s10+s15], $0x1400, $0x38;
	[tilespmem:$0x1E900] =	vst v63  }
0xa7: {  	_ =	swait.ge [sflag:s22], $0x1400  }
0xa8: {  	[sflag:s22] =	ssyncset.done $0x0  }
0xa9: {  	[sflag:s22] =	ssyncadd.s32 $0xFFFFEC00  }
0xaa: {  	[tilespmem:s25], [sflag:$0x1] =	stream.indirect.gather [hbm4b:s4+s24], $0x80, s15, s24, $0xb8;
	[tilespmem:$0x1E900] =	vst v63  }
0xab: {  	s6 =	simm.s32 $0x80  }
0xac: {  	[tilespmem:s26], [sflag:$0x2] =	stream.indirect.gather [hbm4b:s4+s24], $0x80, s6, s24, $0xb8;
	[tilespmem:$0x1E900] =	vst v63  }
0xad: {  	_ =	swait.ge [sflag:s28], $0x3E80  }
0xae: {  	[sflag:s28] =	ssyncset.done $0x0  }
0xaf: {  	s13 =	simm.s32 $0x1400;
	[sflag:s28] =	ssyncadd.s32 $0xFFFFC180  }
0xb0: {  	[spmem:s1] =	stream.indirect.scatter.add.f32 [tilespmem:s25], [sflag:$0x3], $0x80, s13, s24, $0xb8;
	[tilespmem:$0x1E900] =	vst v63  }
0xb1: {  	_ =	swait.ge [sflag:s22], $0x3E80  }
0xb2: {  	[sflag:s22] =	ssyncset.done $0x0  }
0xb3: {  	s14 =	simm.s32 $0x100;
	[sflag:s22] =	ssyncadd.s32 $0xFFFFC180  }
0xb4: {  	[tilespmem:s25], [sflag:$0x1] =	stream.indirect.gather [hbm4b:s4+s24], $0x80, s14, s24, $0xb8;
	[tilespmem:$0x1E900] =	vst v63  }
0xb5: {  	_ =	swait.ge [sflag:s29], $0x3E80  }
0xb6: {  	[sflag:s29] =	ssyncset.done $0x0  }
0xb7: {  	s15 =	simm.s32 $0x1480;
	[sflag:s29] =	ssyncadd.s32 $0xFFFFC180  }
0xb8: {  	[spmem:s1] =	stream.indirect.scatter.add.f32 [tilespmem:s26], [sflag:$0x3], $0x80, s15, s24, $0xb8;
	[tilespmem:$0x1E900] =	vst v63  }
0xb9: {  	_ =	swait.ge [sflag:s22], $0x3E80  }
0xba: {  	s3 =	simm.s32 $0x100;
	s6 =	simm.s32 $0x800;
	[sflag:s22] =	ssyncset.done $0x0  }
.LBB2_9:
0xbb: {  	s13 =	sadd.s32 $0x80, s3  }
0xbc: {  	[sflag:s22] =	ssyncadd.s32 $0xFFFFC180;
	s14 =	smov.u32 s6;
	s15 =	sadd.s32 $0x400, s6  }
0xbd: {  	[tilespmem:s26], [sflag:$0x2] =	stream.indirect.gather [hbm4b:s4+s24], $0x80, s13, s24, $0xb8;
	[tilespmem:$0x1E900] =	vst v63  }
0xbe: {  	p1 =	sne.s32 s6, $0x4800;
	_ =	swait.ge [sflag:s28], $0x3E80  }
0xbf: {  	[sflag:s28] =	ssyncset.done $0x0  }
0xc0: {  	s6 =	sadd.s32 $0x1400, s3;
	[sflag:s28] =	ssyncadd.s32 $0xFFFFC180  }
0xc1: {  	[spmem:s1] =	stream.indirect.scatter.add.f32 [tilespmem:s25], [sflag:$0x3], $0x80, s6, s24, $0xb8;
	[tilespmem:$0x1E900] =	vst v63  }
0xc2: {  	_ =	swait.ge [sflag:s22], $0x3E80  }
0xc3: {  	[sflag:s22] =	ssyncset.done $0x0  }
0xc4: {  	s6 =	sadd.s32 $0x100, s3;
	[sflag:s22] =	ssyncadd.s32 $0xFFFFC180  }
0xc5: {  	[tilespmem:s25], [sflag:$0x1] =	stream.indirect.gather [hbm4b:s4+s24], $0x80, s6, s24, $0xb8;
	[tilespmem:$0x1E900] =	vst v63  }
0xc6: {  	_ =	swait.ge [sflag:s29], $0x3E80  }
.Ltmp4:
0xc7: {  	[sflag:s29] =	ssyncset.done $0x0;
	(pc) =	sbr.rel @p1 .LBB2_9-.Ltmp4, $4  }
0xc8: {  	s3 =	sadd.s32 $0x1480, s3;
	[sflag:s29] =	ssyncadd.s32 $0xFFFFC180  }
0xc9: {  	[spmem:s1] =	stream.indirect.scatter.add.f32 [tilespmem:s26], [sflag:$0x3], $0x80, s3, s24, $0xb8;
	[tilespmem:$0x1E900] =	vst v63  }
0xca: {  	_ =	swait.ge [sflag:s22], $0x3E80  }
0xcb: {  	s6 =	smov.u32 s15;
	s3 =	sshra.s32 s14, $0x2;
	[sflag:s22] =	ssyncset.done $0x0  }
0xcc: {  	s6 =	sadd.s32 $0x80, s3;
	[sflag:s22] =	ssyncadd.s32 $0xFFFFC180  }
0xcd: {  	[tilespmem:s26], [sflag:$0x2] =	stream.indirect.gather [hbm4b:s4+s24], $0x80, s6, s24, $0xb8;
	[tilespmem:$0x1E900] =	vst v63  }
0xce: {  	_ =	swait.ge [sflag:s28], $0x3E80  }
0xcf: {  	[sflag:s28] =	ssyncset.done $0x0  }
0xd0: {  	s13 =	sadd.s32 $0x1400, s3;
	[sflag:s28] =	ssyncadd.s32 $0xFFFFC180  }
0xd1: {  	[spmem:s1] =	stream.indirect.scatter.add.f32 [tilespmem:s25], [sflag:$0x3], $0x80, s13, s24, $0xb8;
	[tilespmem:$0x1E900] =	vst v63  }
0xd2: {  	_ =	swait.ge [sflag:s22], $0x3E80  }
0xd3: {  	[sflag:s22] =	ssyncset.done $0x0  }
0xd4: {  	s14 =	sadd.s32 $0x100, s3;
	[sflag:s22] =	ssyncadd.s32 $0xFFFFC180  }
0xd5: {  	[tilespmem:s25], [sflag:$0x1] =	stream.indirect.gather [hbm4b:s4+s24], $0x80, s14, s24, $0xb8;
	[tilespmem:$0x1E900] =	vst v63  }
0xd6: {  	_ =	swait.ge [sflag:s29], $0x3E80  }
0xd7: {  	[sflag:s29] =	ssyncset.done $0x0  }
0xd8: {  	s15 =	sadd.s32 $0x1480, s3;
	[sflag:s29] =	ssyncadd.s32 $0xFFFFC180  }
0xd9: {  	[spmem:s1] =	stream.indirect.scatter.add.f32 [tilespmem:s26], [sflag:$0x3], $0x80, s15, s24, $0xb8;
	[tilespmem:$0x1E900] =	vst v63  }
0xda: {  	_ =	swait.ge [sflag:s22], $0x3E80  }
0xdb: {  	[sflag:s22] =	ssyncset.done $0x0  }
0xdc: {  	[sflag:s22] =	ssyncadd.s32 $0xFFFFC180  }
0xdd: {  	[tilespmem:s26], [sflag:$0x2] =	stream.indirect.gather [hbm4b:s4+s24], $0x80, s30, s24, $0xb8;
	[tilespmem:$0x1E900] =	vst v63  }
0xde: {  	_ =	swait.ge [sflag:s28], $0x3E80  }
0xdf: {  	[sflag:s28] =	ssyncset.done $0x0  }
0xe0: {  	[sflag:s28] =	ssyncadd.s32 $0xFFFFC180  }
0xe1: {  	[spmem:s1] =	stream.indirect.scatter.add.f32 [tilespmem:s25], [sflag:$0x3], $0x80, s31, s24, $0xb8;
	[tilespmem:$0x1E900] =	vst v63  }
0xe2: {  	_ =	swait.ge [sflag:s22], $0x3E80  }
0xe3: {  	[sflag:s22] =	ssyncset.done $0x0  }
0xe4: {  	[sflag:s22] =	ssyncadd.s32 $0xFFFFC180  }
0xe5: {  	_ =	swait.ge [sflag:s29], $0x3E80  }
0xe6: {  	[sflag:s29] =	ssyncset.done $0x0  }
0xe7: {  	[sflag:s29] =	ssyncadd.s32 $0xFFFFC180  }
0xe8: {  	[spmem:s1] =	stream.indirect.scatter.add.f32 [tilespmem:s26], [sflag:$0x3], $0x80, s0, s24, $0xb8;
	[tilespmem:$0x1E900] =	vst v63  }
0xe9: {  	_ =	swait.ge [sflag:s22], $0x3E80  }
0xea: {  	s2 =	sadd.s32 $0x1, s2;
	[sflag:s22] =	ssyncset.done $0x0  }
0xeb: {  	p1 =	sne.s32 s2, s12;
	[sflag:s22] =	ssyncadd.s32 $0xFFFFC180  }
.Ltmp5:
0xec: {  	[bflag:$0x0] =	sbarrier.arrive $0xFFFF;
	(pc) =	sbr.rel @p1 .LBB2_1-.Ltmp5, $4  }
0xed: {  	[hbm:s11], [sflag:s20] =	dma.local [spmem:s21], $0x2800  }
0xee: {  	_ =	swait.ge [sflag:s22], $0x2800  }
0xef: {  	[sflag:s22] =	ssyncset.done $0x0  }
0xf0: {  	[sflag:s22] =	ssyncadd.s32 $0xFFFFD800  }
0xf1: {  	_ =	sfence.sel $0x180000  }
0xf2: {  	[bflag:$0x0] =	sbarrier.arrive $0xFFFF  }
0xf3: {  	_ =	strace $0x9000004A  }
0xf4: {  	s0 =	stileid.u32;
	[bflag:$0x2] =	sbarrier.arrive $0xFFFF  }
0xf5: {  	p0 =	sne.s32 s0, $0x0;
	s0 =	rddreg [dreg:$0x3]  }
0xf6: {  	s0 =	sadd.s32 @!p0 $0x100000, s0  }
0xf7: {  	[sflag:s0] =	ssyncadd.tile.s32 @!p0 $0x1;
	_ =	shalt  }
.Lfunc_end2:
_tile_overlayer_lowered:
.L_overlay_start_2:
0xf8: {  	(tag) =	ssettag $0x2  }
0xf9: {  	s0 =	rddreg [dreg:$0x0];
	s2 =	stileid.u32  }
0xfa: {  	s1 =	rddreg [dreg:$0x1];
	p0 =	sne.s32 s2, $0x0  }
0xfb: {  	s3 =	rddreg [dreg:$0x2];
	[bflag:$0x3] =	sbarrier.arrive $0xFFFF;
	s2 =	simm.s32 @!p0 $0x1C03  }
0xfc: {  	[timem:s3], [sflag:s2] =	dma.local @!p0 [hbm:s0], s1  }
0xfd: {  	s0 =	simm.s32 @!p0 $0x3  }
0xfe: {  	_ =	swait.ge @!p0 [sflag:s0], s1  }
0xff: {  	s1 =	ssub.s32 @!p0 $0x0, s1;
	[sflag:s0] =	ssyncset.done @!p0 $0x0  }
0x100: {  	[sflag:s0] =	ssyncadd.s32 @!p0 s1  }
0x101: {  	[bflag:$0x3] =	sbarrier.arrive $0xFFFF  }
0x102: {  	_ =	shalt  }

</sc_bundles>
